<compile_context>
chip_gen: v7x
topology: tpu7x:2x2x1
jax: 0.10.2.dev20260603
libtpu: 0.0.44.dev20260713+nightly
codegen_flags: <defaults>
</compile_context>

<pallas_src>
import functools

import jax
import jax.numpy as jnp
from jax import lax
from jax.experimental import pallas as pl
from jax.experimental.pallas import tpu as pltpu
from jax.experimental.pallas import tpu_sc as plsc

E = 8
D = 1024
F = 1024
N = 2048
BM = 256
NBLK = 23
P = NBLK * BM
NC, NS = 2, 16
NW = NC * NS
TPW = N // NW


def _router_body(x_ref, gw_ref, lb_ref,
                 wa_ref, wb_ref, pos_ref, meta_ref, nb_ref):
    xb = x_ref[...]
    logits = lax.dot_general(xb, gw_ref[...], (((1,), (1,)), ((), ())),
                             preferred_element_type=jnp.float32)
    sel = logits + lb_ref[...]
    iota = lax.broadcasted_iota(jnp.int32, sel.shape, 1)
    neg = jnp.float32(-1e30)

    m1 = jnp.max(sel, axis=1, keepdims=True)
    idx1 = jnp.min(jnp.where(sel >= m1, iota, E), axis=1, keepdims=True)
    pick1 = iota == idx1
    s1 = jnp.sum(jnp.where(pick1, logits, 0.0), axis=1, keepdims=True)

    sel2 = jnp.where(pick1, neg, sel)
    m2 = jnp.max(sel2, axis=1, keepdims=True)
    idx2 = jnp.min(jnp.where(sel2 >= m2, iota, E), axis=1, keepdims=True)
    pick2 = iota == idx2
    s2 = jnp.sum(jnp.where(pick2, logits, 0.0), axis=1, keepdims=True)

    g1 = 1.0 / (1.0 + jnp.exp(-s1))
    g2 = 1.0 / (1.0 + jnp.exp(-s2))
    denom = g1 + g2 + 1e-6
    wa_ref[...] = g1 / denom
    wb_ref[...] = g2 / denom

    oh = jnp.concatenate([pick1, pick2], axis=0).astype(jnp.int32)
    cum = oh
    sh = 1
    while sh < 2 * N:
        top = jnp.zeros((sh, E), jnp.int32)
        cum = cum + jnp.concatenate([top, cum[: 2 * N - sh]], axis=0)
        sh *= 2
    counts = cum[2 * N - 1 : 2 * N, :]
    nblk_e = (counts + (BM - 1)) // BM
    ii = lax.broadcasted_iota(jnp.int32, (E, E), 0)
    jj = lax.broadcasted_iota(jnp.int32, (E, E), 1)
    tri = (ii <= jj).astype(jnp.float32)
    blk_end = lax.dot_general(nblk_e.astype(jnp.float32), tri,
                              (((1,), (0,)), ((), ())),
                              preferred_element_type=jnp.float32).astype(jnp.int32)
    base_e = (blk_end - nblk_e) * BM
    rank = jnp.sum(cum * oh, axis=1, keepdims=True) - 1
    base_q = jnp.sum(oh * base_e, axis=1, keepdims=True)
    pos_ref[...] = rank + base_q

    gi = lax.broadcasted_iota(jnp.int32, (NBLK, E), 0)
    ei = lax.broadcasted_iota(jnp.int32, (NBLK, E), 1)
    be = jnp.minimum(
        jnp.sum((gi >= blk_end).astype(jnp.int32), axis=1, keepdims=True), E - 1)
    ohg = ei == be
    nonempty = counts > 0
    blk_start_row = blk_end - nblk_e
    rs = jnp.sum((ohg & (gi == blk_start_row)).astype(jnp.int32),
                 axis=1, keepdims=True)
    r = jnp.sum(((ei <= be) & nonempty).astype(jnp.int32),
                axis=1, keepdims=True) - 1
    rp = r & 1
    ne = jnp.min(jnp.where((ei > be) & nonempty, ei, E),
                 axis=1, keepdims=True)
    hn = (ne < E).astype(jnp.int32)
    zero = jnp.zeros((NBLK, 1), jnp.int32)
    meta_ref[...] = jnp.concatenate(
        [be, rs, rp, jnp.minimum(ne, E - 1), hn, zero, zero, zero],
        axis=1)
    nb_ref[...] = blk_end[:, E - 1 :]


def _router(x2d, gate_w, lb2d):
    col = lambda n: pl.BlockSpec((n, 1), lambda: (0, 0))
    return pl.pallas_call(
        _router_body,
        in_specs=[
            pl.BlockSpec((N, D), lambda: (0, 0)),
            pl.BlockSpec((E, D), lambda: (0, 0)),
            pl.BlockSpec((1, E), lambda: (0, 0)),
        ],
        out_specs=[col(N), col(N), col(2 * N),
                   pl.BlockSpec((NBLK, E), lambda: (0, 0)), col(1)],
        out_shape=[
            jax.ShapeDtypeStruct((N, 1), jnp.float32),
            jax.ShapeDtypeStruct((N, 1), jnp.float32),
            jax.ShapeDtypeStruct((2 * N, 1), jnp.int32),
            jax.ShapeDtypeStruct((NBLK, E), jnp.int32),
            jax.ShapeDtypeStruct((1, 1), jnp.int32),
        ],
    )(x2d, gate_w, lb2d)


def _sc_dispatch(x2d, pos_flat):
    mesh = plsc.VectorSubcoreMesh(core_axis_name="c", subcore_axis_name="s",
                                  num_cores=NC, num_subcores=NS)

    @functools.partial(
        pl.kernel,
        out_type=jax.ShapeDtypeStruct((P, D), jnp.float32),
        mesh=mesh,
        scratch_types=[
            pltpu.VMEM((2, TPW), jnp.int32),
            pltpu.VMEM((TPW, D), jnp.float32),
            pltpu.SemaphoreType.DMA,
        ],
    )
    def k(xp_hbm, pos_hbm, out_hbm, idx_v, xbuf, sem):
        wid = lax.axis_index("s") * NC + lax.axis_index("c")
        pltpu.sync_copy(pos_hbm.at[pl.ds(wid * TPW, TPW)], idx_v.at[0])
        pltpu.sync_copy(pos_hbm.at[pl.ds(N + wid * TPW, TPW)], idx_v.at[1])
        pltpu.sync_copy(xp_hbm.at[pl.ds(wid * TPW, TPW)], xbuf)
        d0 = pltpu.async_copy(xbuf, out_hbm.at[idx_v.at[0]], sem)
        d1 = pltpu.async_copy(xbuf, out_hbm.at[idx_v.at[1]], sem)
        d0.wait()
        d1.wait()

    return k(x2d, pos_flat)


def _sc_gather(table, idx, n_rows, width):
    rows_per_w = n_rows // NW
    ch = rows_per_w
    while ch * width * 4 > 220 * 1024:
        ch //= 2
    n_ch = rows_per_w // ch
    mesh = plsc.VectorSubcoreMesh(core_axis_name="c", subcore_axis_name="s",
                                  num_cores=NC, num_subcores=NS)

    @functools.partial(
        pl.kernel,
        out_type=jax.ShapeDtypeStruct((n_rows, width), jnp.float32),
        mesh=mesh,
        scratch_types=[
            pltpu.VMEM((rows_per_w,), jnp.int32),
            pltpu.VMEM((ch, width), jnp.float32),
            pltpu.VMEM((ch, width), jnp.float32),
            pltpu.SemaphoreType.DMA,
            pltpu.SemaphoreType.DMA,
        ],
    )
    def k(table_hbm, idx_hbm, out_hbm, idx_v, buf0, buf1, sem0, sem1):
        wid = lax.axis_index("s") * NC + lax.axis_index("c")
        base = wid * rows_per_w
        pltpu.sync_copy(idx_hbm.at[pl.ds(base, rows_per_w)], idx_v)
        bufs = (buf0, buf1)
        sems = (sem0, sem1)
        descs = [None, None]
        for c in range(n_ch):
            descs[c % 2] = pltpu.async_copy(
                table_hbm.at[idx_v.at[pl.ds(c * ch, ch)]], bufs[c % 2], sems[c % 2])
            if c > 0:
                descs[(c - 1) % 2].wait()
                pltpu.sync_copy(bufs[(c - 1) % 2],
                                out_hbm.at[pl.ds(base + (c - 1) * ch, ch)])
        descs[(n_ch - 1) % 2].wait()
        pltpu.sync_copy(bufs[(n_ch - 1) % 2],
                        out_hbm.at[pl.ds(base + (n_ch - 1) * ch, ch)])

    return k(table, idx)


def _ffn_body(meta_ref, xg_ref, w1_hbm, w2_hbm, y_ref,
              wbuf1, wbuf2, sem1, sem2):
    g = pl.program_id(0)
    par = meta_ref[g, 2]

    @pl.when(g == 0)
    def _():
        pltpu.make_async_copy(w1_hbm.at[meta_ref[0, 0]], wbuf1.at[0], sem1).start()
        pltpu.make_async_copy(w2_hbm.at[meta_ref[0, 0]], wbuf2.at[0], sem2).start()

    @pl.when(meta_ref[g, 1] == 1)
    def _():
        pltpu.make_async_copy(w1_hbm.at[meta_ref[g, 0]], wbuf1.at[par], sem1).wait()
        pltpu.make_async_copy(w2_hbm.at[meta_ref[g, 0]], wbuf2.at[par], sem2).wait()

    @pl.when((meta_ref[g, 1] == 1) & (meta_ref[g, 4] == 1))
    def _():
        nxt = meta_ref[g, 3]
        pltpu.make_async_copy(w1_hbm.at[nxt], wbuf1.at[1 - par], sem1).start()
        pltpu.make_async_copy(w2_hbm.at[nxt], wbuf2.at[1 - par], sem2).start()

    xb = xg_ref[...]
    h = lax.dot_general(xb, wbuf1[par], (((1,), (1,)), ((), ())),
                        preferred_element_type=jnp.float32)
    h = jnp.square(jnp.maximum(h, 0.0))
    y_ref[...] = lax.dot_general(h, wbuf2[par], (((1,), (1,)), ((), ())),
                                 preferred_element_type=jnp.float32)


def _ffn(xg, w1, w2, meta, nblk):
    grid = (nblk,)
    grid_spec = pltpu.PrefetchScalarGridSpec(
        num_scalar_prefetch=1,
        grid=grid,
        in_specs=[
            pl.BlockSpec((BM, D), lambda g, m: (g, 0)),
            pl.BlockSpec(memory_space=pl.ANY),
            pl.BlockSpec(memory_space=pl.ANY),
        ],
        out_specs=pl.BlockSpec((BM, D), lambda g, m: (g, 0)),
        scratch_shapes=[
            pltpu.VMEM((2, F, D), jnp.float32),
            pltpu.VMEM((2, D, F), jnp.float32),
            pltpu.SemaphoreType.DMA,
            pltpu.SemaphoreType.DMA,
        ],
    )
    return pl.pallas_call(
        _ffn_body,
        grid_spec=grid_spec,
        out_shape=jax.ShapeDtypeStruct((P, D), jnp.float32),
    )(meta, xg, w1, w2)


_SB = 256


def _shared_body(x_ref, sfc_ref, spr_ref, out_ref):
    hs = lax.dot_general(x_ref[...], sfc_ref[...], (((1,), (1,)), ((), ())),
                         preferred_element_type=jnp.float32)
    hs = jnp.square(jnp.maximum(hs, 0.0))
    out_ref[...] = lax.dot_general(hs, spr_ref[...], (((1,), (1,)), ((), ())),
                                   preferred_element_type=jnp.float32
                                   ).astype(jnp.bfloat16)


def _shared(x2d, sfc, spr):
    return pl.pallas_call(
        _shared_body,
        grid=(N // _SB,),
        in_specs=[
            pl.BlockSpec((_SB, D), lambda g: (g, 0)),
            pl.BlockSpec((F, D), lambda g: (0, 0)),
            pl.BlockSpec((D, F), lambda g: (0, 0)),
        ],
        out_specs=pl.BlockSpec((_SB, D), lambda g: (g, 0)),
        out_shape=jax.ShapeDtypeStruct((N, D), jnp.bfloat16),
    )(x2d, sfc, spr)


_CB = 256


def _combine_body(sh_ref, a_ref, b_ref, wa_ref, wb_ref, out_ref):
    out_ref[...] = (sh_ref[...].astype(jnp.float32)
                    + wa_ref[...] * a_ref[...]
                    + wb_ref[...] * b_ref[...])


def _combine(sh, ab, wa, wb):
    blk = lambda g: (g, 0)
    return pl.pallas_call(
        _combine_body,
        grid=(N // _CB,),
        in_specs=[
            pl.BlockSpec((_CB, D), blk),
            pl.BlockSpec((_CB, D), blk),
            pl.BlockSpec((_CB, D), lambda g: (g + N // _CB, 0)),
            pl.BlockSpec((_CB, 1), blk),
            pl.BlockSpec((_CB, 1), blk),
        ],
        out_specs=pl.BlockSpec((_CB, D), blk),
        out_shape=jax.ShapeDtypeStruct((N, D), jnp.float32),
    )(sh, ab, ab, wa, wb)


def kernel(x, gate_w, lb_bias, w1, w2, shared_fc, shared_proj):
    bsz, t, d = x.shape
    x2d = x.reshape(t * bsz, d)
    wa, wb, pos, meta, nb = _router(x2d, gate_w, lb_bias.reshape(1, E))
    pos_flat = pos.reshape(2 * N)
    sh = _shared(x2d, shared_fc, shared_proj)
    xg = _sc_dispatch(x2d, pos_flat)
    y = _ffn(xg, w1, w2, meta, nb.reshape(())[()])
    ab = _sc_gather(y, pos_flat, 2 * N, D)
    out = _combine(sh, ab, wa, wb)
    return out.reshape(bsz, t, d)

# --- scband reference (transcript-rebuilt; emitter-appended) ---
"""Pipeline reference for scband-mo-elayer-29197187678928 (READ-ONLY COPY).

The authoritative reference and input builder live on the scoring server;
editing this copy changes nothing except your own understanding.
"""

import jax, jax.numpy as jnp
import numpy as np

E = 8
K = 2
D = 1024
F = 1024


def setup_inputs(seed: int = 0) -> dict:
    key = jax.random.key(seed)
    ks = jax.random.split(key, 6)
    x = jax.random.normal(ks[0], (1, 2048, D), dtype=jnp.float32)
    gate_w = jax.random.normal(ks[1], (E, D), dtype=jnp.float32) * 0.02
    lb_bias = jnp.zeros((E,), dtype=jnp.float32)
    w1 = jax.random.normal(ks[2], (E, F, D), dtype=jnp.float32) * 0.02
    w2 = jax.random.normal(ks[3], (E, D, F), dtype=jnp.float32) * 0.02
    shared_fc = jax.random.normal(ks[4], (F, D), dtype=jnp.float32) * 0.02
    shared_proj = jax.random.normal(ks[5], (D, F), dtype=jnp.float32) * 0.02
    return {"x": x, "gate_w": gate_w, "lb_bias": lb_bias, "w1": w1, "w2": w2,
            "shared_fc": shared_fc, "shared_proj": shared_proj}


def reference(x, gate_w, lb_bias, w1, w2, shared_fc, shared_proj):
    B, T, Dd = x.shape
    nE = gate_w.shape[0]
    k = K
    # Router (DeepSeek-V3 style sigmoid gating)
    logits = x @ gate_w.T                                  # (B,T,E)
    selection_logits = logits + lb_bias
    _, idx = jax.lax.top_k(selection_logits, k)            # (B,T,k)
    selected = jnp.take_along_axis(logits, idx, axis=-1)   # (B,T,k)
    w = jax.nn.sigmoid(selected)
    w = w / (jnp.sum(w, axis=-1, keepdims=True) + 1e-6)
    # Flatten tokens
    flat_x = x.reshape(-1, Dd)                             # (N,D)
    flat_idx = idx.reshape(-1, k)                          # (N,k)
    flat_w = w.reshape(-1, k)                              # (N,k)
    # Combine weight per (token, expert): sum of slot weights where slot routes to expert
    onehot = jax.nn.one_hot(flat_idx, nE, dtype=flat_w.dtype)   # (N,k,E)
    comb = jnp.einsum('nk,nke->ne', flat_w, onehot)             # (N,E)
    # Experts: relu(x W1^T)^2 W2^T ; evaluated densely, zero comb weight kills non-routed contributions
    hidden = jnp.einsum('nd,efd->nef', flat_x, w1)              # (N,E,F)
    hidden = jnp.square(jax.nn.relu(hidden))
    expert_out = jnp.einsum('nef,edf->ned', hidden, w2)         # (N,E,D)
    out = jnp.einsum('ne,ned->nd', comb, expert_out).reshape(B, T, Dd)
    # Shared expert (always active)
    sh = flat_x @ shared_fc.T
    sh = jnp.square(jax.nn.relu(sh))
    sh = sh @ shared_proj.T
    return out + sh.reshape(B, T, Dd)

if __name__ == "__main__":
    import jax
    _d = setup_inputs()
    print(jax.jit(kernel)(*tuple(_d.values())))

</pallas_src>

<mosaic_0001>
#map = affine_map<(d0, d1) -> (0, 0)>
#map1 = affine_map<(d0, d1) -> (0)>
module attributes {stable_mosaic.version = 14 : i64} {
  func.func @k(%arg0: i32, %arg1: i32, %arg2: memref<5888x1024xf32, #tpu.memory_space<hbm>>, %arg3: memref<4096xi32, #tpu.memory_space<hbm>>, %arg4: memref<4096x1024xf32, #tpu.memory_space<hbm>>, %arg5: memref<128xi32, #tpu.memory_space<vmem>>, %arg6: memref<32x1024xf32, #tpu.memory_space<vmem>>, %arg7: memref<32x1024xf32, #tpu.memory_space<vmem>>, %arg8: memref<!tpu.dma_semaphore, #tpu.memory_space<semaphore_mem>>, %arg9: memref<!tpu.dma_semaphore, #tpu.memory_space<semaphore_mem>>) attributes {dimension_semantics = [#tpu.dimension_semantics<core_parallel>, #tpu.dimension_semantics<subcore_parallel>], iteration_bounds = array<i64: 2, 16>, scalar_prefetch = 0 : i64, scratch_operands = 5 : i64, tpu.core_type = #tpu.core_type<sc_vector_subcore>, window_params = [{transform_indices = #map}, {transform_indices = #map1}, {transform_indices = #map}]} {
    %mul3A = arith.constant 2 : i32
    %mul3A_0 = arith.muli %arg1, %mul3A : i32
    %add3A = arith.addi %mul3A_0, %arg0 : i32
    %mul3A_1 = arith.constant 128 : i32
    %mul3A_2 = arith.muli %add3A, %mul3A_1 : i32
    "tpu.region"() ({
      %run_scoped3A = tpu.sem_alloc : memref<!tpu.dma_semaphore, #tpu.memory_space<semaphore_mem>>
      %dma_start3A_49 = tpu.memref_slice %arg3[%mul3A_2] : memref<4096xi32, #tpu.memory_space<hbm>> -> memref<128xi32, #tpu.memory_space<hbm>>
      %dma_start3A_50 = tpu.memref_slice %arg3[%mul3A_2] : memref<4096xi32, #tpu.memory_space<hbm>> -> memref<128xi32, #tpu.memory_space<hbm>>
      tpu.enqueue_dma source(%dma_start3A_50 : memref<128xi32, #tpu.memory_space<hbm>>) target(%arg5 : memref<128xi32, #tpu.memory_space<vmem>>) target_semaphore(%run_scoped3A : memref<!tpu.dma_semaphore, #tpu.memory_space<semaphore_mem>>)
      %dma_wait3A_51 = tpu.memref_slice %arg3[%mul3A_2] : memref<4096xi32, #tpu.memory_space<hbm>> -> memref<128xi32, #tpu.memory_space<hbm>>
      %dma_wait3A_52 = tpu.memref_slice %arg3[%mul3A_2] : memref<4096xi32, #tpu.memory_space<hbm>> -> memref<128xi32, #tpu.memory_space<hbm>>
      tpu.wait_dma2 semaphore(%run_scoped3A : memref<!tpu.dma_semaphore, #tpu.memory_space<semaphore_mem>>) src(%dma_wait3A_52 : memref<128xi32, #tpu.memory_space<hbm>>) dst(%arg5 : memref<128xi32, #tpu.memory_space<vmem>>)
      tpu.yield
    }) : () -> ()
    %dma_start3A = arith.constant 0 : i32
    %dma_start3A_3 = tpu.memref_slice %arg5[%dma_start3A] : memref<128xi32, #tpu.memory_space<vmem>> -> memref<32xi32, #tpu.memory_space<vmem>>
    %dma_start3A_4 = arith.constant 0 : i32
    %dma_start3A_5 = arith.constant 0 : i32
    %dma_start3A_6 = tpu.memref_slice %arg2[%dma_start3A_4, %dma_start3A_5] : memref<5888x1024xf32, #tpu.memory_space<hbm>> -> memref<5888x1024xf32, #tpu.memory_space<hbm>>
    tpu.enqueue_indirect_dma source(%dma_start3A_6 : memref<5888x1024xf32, #tpu.memory_space<hbm>>) target(%arg6 : memref<32x1024xf32, #tpu.memory_space<vmem>>) offsets(%dma_start3A_3 : memref<32xi32, #tpu.memory_space<vmem>>) semaphore(%arg8 : memref<!tpu.dma_semaphore, #tpu.memory_space<semaphore_mem>>)
    %dma_start3A_7 = arith.constant 32 : i32
    %dma_start3A_8 = tpu.memref_slice %arg5[%dma_start3A_7] : memref<128xi32, #tpu.memory_space<vmem>> -> memref<32xi32, #tpu.memory_space<vmem>>
    %dma_start3A_9 = arith.constant 0 : i32
    %dma_start3A_10 = arith.constant 0 : i32
    %dma_start3A_11 = tpu.memref_slice %arg2[%dma_start3A_9, %dma_start3A_10] : memref<5888x1024xf32, #tpu.memory_space<hbm>> -> memref<5888x1024xf32, #tpu.memory_space<hbm>>
    tpu.enqueue_indirect_dma source(%dma_start3A_11 : memref<5888x1024xf32, #tpu.memory_space<hbm>>) target(%arg7 : memref<32x1024xf32, #tpu.memory_space<vmem>>) offsets(%dma_start3A_8 : memref<32xi32, #tpu.memory_space<vmem>>) semaphore(%arg9 : memref<!tpu.dma_semaphore, #tpu.memory_space<semaphore_mem>>)
    %dma_wait3A = arith.constant 0 : i32
    %dma_wait3A_12 = tpu.memref_slice %arg5[%dma_wait3A] : memref<128xi32, #tpu.memory_space<vmem>> -> memref<32xi32, #tpu.memory_space<vmem>>
    %dma_wait3A_13 = arith.constant 0 : i32
    %dma_wait3A_14 = arith.constant 0 : i32
    %dma_wait3A_15 = tpu.memref_slice %arg2[%dma_wait3A_13, %dma_wait3A_14] : memref<5888x1024xf32, #tpu.memory_space<hbm>> -> memref<5888x1024xf32, #tpu.memory_space<hbm>>
    tpu.wait_indirect_dma semaphore(%arg8 : memref<!tpu.dma_semaphore, #tpu.memory_space<semaphore_mem>>) src(%dma_wait3A_15 : memref<5888x1024xf32, #tpu.memory_space<hbm>>) dst(%arg6 : memref<32x1024xf32, #tpu.memory_space<vmem>>)
    %add3A_16 = arith.constant 0 : i32
    %add3A_17 = arith.addi %mul3A_2, %add3A_16 : i32
    "tpu.region"() ({
      %run_scoped3A = tpu.sem_alloc : memref<!tpu.dma_semaphore, #tpu.memory_space<semaphore_mem>>
      %dma_start3A_49 = arith.constant 0 : i32
      %dma_start3A_50 = tpu.memref_slice %arg4[%add3A_17, %dma_start3A_49] : memref<4096x1024xf32, #tpu.memory_space<hbm>> -> memref<32x1024xf32, #tpu.memory_space<hbm>>
      %dma_start3A_51 = arith.constant 0 : i32
      %dma_start3A_52 = tpu.memref_slice %arg4[%add3A_17, %dma_start3A_51] : memref<4096x1024xf32, #tpu.memory_space<hbm>> -> memref<32x1024xf32, #tpu.memory_space<hbm>>
      tpu.enqueue_dma source(%arg6 : memref<32x1024xf32, #tpu.memory_space<vmem>>) target(%dma_start3A_52 : memref<32x1024xf32, #tpu.memory_space<hbm>>) target_semaphore(%run_scoped3A : memref<!tpu.dma_semaphore, #tpu.memory_space<semaphore_mem>>)
      %dma_wait3A_53 = arith.constant 0 : i32
      %dma_wait3A_54 = tpu.memref_slice %arg4[%add3A_17, %dma_wait3A_53] : memref<4096x1024xf32, #tpu.memory_space<hbm>> -> memref<32x1024xf32, #tpu.memory_space<hbm>>
      %dma_wait3A_55 = arith.constant 0 : i32
      %dma_wait3A_56 = tpu.memref_slice %arg4[%add3A_17, %dma_wait3A_55] : memref<4096x1024xf32, #tpu.memory_space<hbm>> -> memref<32x1024xf32, #tpu.memory_space<hbm>>
      tpu.wait_dma2 semaphore(%run_scoped3A : memref<!tpu.dma_semaphore, #tpu.memory_space<semaphore_mem>>) src(%arg6 : memref<32x1024xf32, #tpu.memory_space<vmem>>) dst(%dma_wait3A_56 : memref<32x1024xf32, #tpu.memory_space<hbm>>)
      tpu.yield
    }) : () -> ()
    %dma_start3A_18 = arith.constant 64 : i32
    %dma_start3A_19 = tpu.memref_slice %arg5[%dma_start3A_18] : memref<128xi32, #tpu.memory_space<vmem>> -> memref<32xi32, #tpu.memory_space<vmem>>
    %dma_start3A_20 = arith.constant 0 : i32
    %dma_start3A_21 = arith.constant 0 : i32
    %dma_start3A_22 = tpu.memref_slice %arg2[%dma_start3A_20, %dma_start3A_21] : memref<5888x1024xf32, #tpu.memory_space<hbm>> -> memref<5888x1024xf32, #tpu.memory_space<hbm>>
    tpu.enqueue_indirect_dma source(%dma_start3A_22 : memref<5888x1024xf32, #tpu.memory_space<hbm>>) target(%arg6 : memref<32x1024xf32, #tpu.memory_space<vmem>>) offsets(%dma_start3A_19 : memref<32xi32, #tpu.memory_space<vmem>>) semaphore(%arg8 : memref<!tpu.dma_semaphore, #tpu.memory_space<semaphore_mem>>)
    %dma_wait3A_23 = arith.constant 32 : i32
    %dma_wait3A_24 = tpu.memref_slice %arg5[%dma_wait3A_23] : memref<128xi32, #tpu.memory_space<vmem>> -> memref<32xi32, #tpu.memory_space<vmem>>
    %dma_wait3A_25 = arith.constant 0 : i32
    %dma_wait3A_26 = arith.constant 0 : i32
    %dma_wait3A_27 = tpu.memref_slice %arg2[%dma_wait3A_25, %dma_wait3A_26] : memref<5888x1024xf32, #tpu.memory_space<hbm>> -> memref<5888x1024xf32, #tpu.memory_space<hbm>>
    tpu.wait_indirect_dma semaphore(%arg9 : memref<!tpu.dma_semaphore, #tpu.memory_space<semaphore_mem>>) src(%dma_wait3A_27 : memref<5888x1024xf32, #tpu.memory_space<hbm>>) dst(%arg7 : memref<32x1024xf32, #tpu.memory_space<vmem>>)
    %add3A_28 = arith.constant 32 : i32
    %add3A_29 = arith.addi %mul3A_2, %add3A_28 : i32
    "tpu.region"() ({
      %run_scoped3A = tpu.sem_alloc : memref<!tpu.dma_semaphore, #tpu.memory_space<semaphore_mem>>
      %dma_start3A_49 = arith.constant 0 : i32
      %dma_start3A_50 = tpu.memref_slice %arg4[%add3A_29, %dma_start3A_49] : memref<4096x1024xf32, #tpu.memory_space<hbm>> -> memref<32x1024xf32, #tpu.memory_space<hbm>>
      %dma_start3A_51 = arith.constant 0 : i32
      %dma_start3A_52 = tpu.memref_slice %arg4[%add3A_29, %dma_start3A_51] : memref<4096x1024xf32, #tpu.memory_space<hbm>> -> memref<32x1024xf32, #tpu.memory_space<hbm>>
      tpu.enqueue_dma source(%arg7 : memref<32x1024xf32, #tpu.memory_space<vmem>>) target(%dma_start3A_52 : memref<32x1024xf32, #tpu.memory_space<hbm>>) target_semaphore(%run_scoped3A : memref<!tpu.dma_semaphore, #tpu.memory_space<semaphore_mem>>)
      %dma_wait3A_53 = arith.constant 0 : i32
      %dma_wait3A_54 = tpu.memref_slice %arg4[%add3A_29, %dma_wait3A_53] : memref<4096x1024xf32, #tpu.memory_space<hbm>> -> memref<32x1024xf32, #tpu.memory_space<hbm>>
      %dma_wait3A_55 = arith.constant 0 : i32
      %dma_wait3A_56 = tpu.memref_slice %arg4[%add3A_29, %dma_wait3A_55] : memref<4096x1024xf32, #tpu.memory_space<hbm>> -> memref<32x1024xf32, #tpu.memory_space<hbm>>
      tpu.wait_dma2 semaphore(%run_scoped3A : memref<!tpu.dma_semaphore, #tpu.memory_space<semaphore_mem>>) src(%arg7 : memref<32x1024xf32, #tpu.memory_space<vmem>>) dst(%dma_wait3A_56 : memref<32x1024xf32, #tpu.memory_space<hbm>>)
      tpu.yield
    }) : () -> ()
    %dma_start3A_30 = arith.constant 96 : i32
    %dma_start3A_31 = tpu.memref_slice %arg5[%dma_start3A_30] : memref<128xi32, #tpu.memory_space<vmem>> -> memref<32xi32, #tpu.memory_space<vmem>>
    %dma_start3A_32 = arith.constant 0 : i32
    %dma_start3A_33 = arith.constant 0 : i32
    %dma_start3A_34 = tpu.memref_slice %arg2[%dma_start3A_32, %dma_start3A_33] : memref<5888x1024xf32, #tpu.memory_space<hbm>> -> memref<5888x1024xf32, #tpu.memory_space<hbm>>
    tpu.enqueue_indirect_dma source(%dma_start3A_34 : memref<5888x1024xf32, #tpu.memory_space<hbm>>) target(%arg7 : memref<32x1024xf32, #tpu.memory_space<vmem>>) offsets(%dma_start3A_31 : memref<32xi32, #tpu.memory_space<vmem>>) semaphore(%arg9 : memref<!tpu.dma_semaphore, #tpu.memory_space<semaphore_mem>>)
    %dma_wait3A_35 = arith.constant 64 : i32
    %dma_wait3A_36 = tpu.memref_slice %arg5[%dma_wait3A_35] : memref<128xi32, #tpu.memory_space<vmem>> -> memref<32xi32, #tpu.memory_space<vmem>>
    %dma_wait3A_37 = arith.constant 0 : i32
    %dma_wait3A_38 = arith.constant 0 : i32
    %dma_wait3A_39 = tpu.memref_slice %arg2[%dma_wait3A_37, %dma_wait3A_38] : memref<5888x1024xf32, #tpu.memory_space<hbm>> -> memref<5888x1024xf32, #tpu.memory_space<hbm>>
    tpu.wait_indirect_dma semaphore(%arg8 : memref<!tpu.dma_semaphore, #tpu.memory_space<semaphore_mem>>) src(%dma_wait3A_39 : memref<5888x1024xf32, #tpu.memory_space<hbm>>) dst(%arg6 : memref<32x1024xf32, #tpu.memory_space<vmem>>)
    %add3A_40 = arith.constant 64 : i32
    %add3A_41 = arith.addi %mul3A_2, %add3A_40 : i32
    "tpu.region"() ({
      %run_scoped3A = tpu.sem_alloc : memref<!tpu.dma_semaphore, #tpu.memory_space<semaphore_mem>>
      %dma_start3A_49 = arith.constant 0 : i32
      %dma_start3A_50 = tpu.memref_slice %arg4[%add3A_41, %dma_start3A_49] : memref<4096x1024xf32, #tpu.memory_space<hbm>> -> memref<32x1024xf32, #tpu.memory_space<hbm>>
      %dma_start3A_51 = arith.constant 0 : i32
      %dma_start3A_52 = tpu.memref_slice %arg4[%add3A_41, %dma_start3A_51] : memref<4096x1024xf32, #tpu.memory_space<hbm>> -> memref<32x1024xf32, #tpu.memory_space<hbm>>
      tpu.enqueue_dma source(%arg6 : memref<32x1024xf32, #tpu.memory_space<vmem>>) target(%dma_start3A_52 : memref<32x1024xf32, #tpu.memory_space<hbm>>) target_semaphore(%run_scoped3A : memref<!tpu.dma_semaphore, #tpu.memory_space<semaphore_mem>>)
      %dma_wait3A_53 = arith.constant 0 : i32
      %dma_wait3A_54 = tpu.memref_slice %arg4[%add3A_41, %dma_wait3A_53] : memref<4096x1024xf32, #tpu.memory_space<hbm>> -> memref<32x1024xf32, #tpu.memory_space<hbm>>
      %dma_wait3A_55 = arith.constant 0 : i32
      %dma_wait3A_56 = tpu.memref_slice %arg4[%add3A_41, %dma_wait3A_55] : memref<4096x1024xf32, #tpu.memory_space<hbm>> -> memref<32x1024xf32, #tpu.memory_space<hbm>>
      tpu.wait_dma2 semaphore(%run_scoped3A : memref<!tpu.dma_semaphore, #tpu.memory_space<semaphore_mem>>) src(%arg6 : memref<32x1024xf32, #tpu.memory_space<vmem>>) dst(%dma_wait3A_56 : memref<32x1024xf32, #tpu.memory_space<hbm>>)
      tpu.yield
    }) : () -> ()
    %dma_wait3A_42 = arith.constant 96 : i32
    %dma_wait3A_43 = tpu.memref_slice %arg5[%dma_wait3A_42] : memref<128xi32, #tpu.memory_space<vmem>> -> memref<32xi32, #tpu.memory_space<vmem>>
    %dma_wait3A_44 = arith.constant 0 : i32
    %dma_wait3A_45 = arith.constant 0 : i32
    %dma_wait3A_46 = tpu.memref_slice %arg2[%dma_wait3A_44, %dma_wait3A_45] : memref<5888x1024xf32, #tpu.memory_space<hbm>> -> memref<5888x1024xf32, #tpu.memory_space<hbm>>
    tpu.wait_indirect_dma semaphore(%arg9 : memref<!tpu.dma_semaphore, #tpu.memory_space<semaphore_mem>>) src(%dma_wait3A_46 : memref<5888x1024xf32, #tpu.memory_space<hbm>>) dst(%arg7 : memref<32x1024xf32, #tpu.memory_space<vmem>>)
    %add3A_47 = arith.constant 96 : i32
    %add3A_48 = arith.addi %mul3A_2, %add3A_47 : i32
    "tpu.region"() ({
      %run_scoped3A = tpu.sem_alloc : memref<!tpu.dma_semaphore, #tpu.memory_space<semaphore_mem>>
      %dma_start3A_49 = arith.constant 0 : i32
      %dma_start3A_50 = tpu.memref_slice %arg4[%add3A_48, %dma_start3A_49] : memref<4096x1024xf32, #tpu.memory_space<hbm>> -> memref<32x1024xf32, #tpu.memory_space<hbm>>
      %dma_start3A_51 = arith.constant 0 : i32
      %dma_start3A_52 = tpu.memref_slice %arg4[%add3A_48, %dma_start3A_51] : memref<4096x1024xf32, #tpu.memory_space<hbm>> -> memref<32x1024xf32, #tpu.memory_space<hbm>>
      tpu.enqueue_dma source(%arg7 : memref<32x1024xf32, #tpu.memory_space<vmem>>) target(%dma_start3A_52 : memref<32x1024xf32, #tpu.memory_space<hbm>>) target_semaphore(%run_scoped3A : memref<!tpu.dma_semaphore, #tpu.memory_space<semaphore_mem>>)
      %dma_wait3A_53 = arith.constant 0 : i32
      %dma_wait3A_54 = tpu.memref_slice %arg4[%add3A_48, %dma_wait3A_53] : memref<4096x1024xf32, #tpu.memory_space<hbm>> -> memref<32x1024xf32, #tpu.memory_space<hbm>>
      %dma_wait3A_55 = arith.constant 0 : i32
      %dma_wait3A_56 = tpu.memref_slice %arg4[%add3A_48, %dma_wait3A_55] : memref<4096x1024xf32, #tpu.memory_space<hbm>> -> memref<32x1024xf32, #tpu.memory_space<hbm>>
      tpu.wait_dma2 semaphore(%run_scoped3A : memref<!tpu.dma_semaphore, #tpu.memory_space<semaphore_mem>>) src(%arg7 : memref<32x1024xf32, #tpu.memory_space<vmem>>) dst(%dma_wait3A_56 : memref<32x1024xf32, #tpu.memory_space<hbm>>)
      tpu.yield
    }) : () -> ()
    return
  }
}

#map = affine_map<(d0, d1) -> (0, 0)>
#map1 = affine_map<(d0, d1) -> (0)>
module attributes {stable_mosaic.version = 14 : i64} {
  func.func @k(%arg0: i32, %arg1: i32, %arg2: memref<2048x1024xf32, #tpu.memory_space<hbm>>, %arg3: memref<4096xi32, #tpu.memory_space<hbm>>, %arg4: memref<5888x1024xf32, #tpu.memory_space<hbm>>, %arg5: memref<2x64xi32, #tpu.memory_space<vmem>>, %arg6: memref<64x1024xf32, #tpu.memory_space<vmem>>, %arg7: memref<!tpu.dma_semaphore, #tpu.memory_space<semaphore_mem>>) attributes {dimension_semantics = [#tpu.dimension_semantics<core_parallel>, #tpu.dimension_semantics<subcore_parallel>], iteration_bounds = array<i64: 2, 16>, scalar_prefetch = 0 : i64, scratch_operands = 3 : i64, tpu.core_type = #tpu.core_type<sc_vector_subcore>, window_params = [{transform_indices = #map}, {transform_indices = #map1}, {transform_indices = #map}]} {
    %mul3A = arith.constant 2 : i32
    %mul3A_0 = arith.muli %arg1, %mul3A : i32
    %add3A = arith.addi %mul3A_0, %arg0 : i32
    %mul3A_1 = arith.constant 64 : i32
    %mul3A_2 = arith.muli %add3A, %mul3A_1 : i32
    %run_scoped3A = arith.constant 0 : i32
    "tpu.region"() ({
      %run_scoped3A_36 = tpu.sem_alloc : memref<!tpu.dma_semaphore, #tpu.memory_space<semaphore_mem>>
      %dma_start3A_37 = arith.constant 0 : i32
      %dma_start3A_38 = tpu.memref_slice %arg5[%run_scoped3A, %dma_start3A_37] : memref<2x64xi32, #tpu.memory_space<vmem>> -> memref<1x64xi32, #tpu.memory_space<vmem>>
      %dma_start3A_39 = tpu.memref_squeeze %dma_start3A_38 : memref<1x64xi32, #tpu.memory_space<vmem>> -> memref<64xi32, #tpu.memory_space<vmem>>
      %dma_start3A_40 = tpu.memref_slice %arg3[%mul3A_2] : memref<4096xi32, #tpu.memory_space<hbm>> -> memref<64xi32, #tpu.memory_space<hbm>>
      %dma_start3A_41 = arith.constant 0 : i32
      %dma_start3A_42 = tpu.memref_slice %arg5[%run_scoped3A, %dma_start3A_41] : memref<2x64xi32, #tpu.memory_space<vmem>> -> memref<1x64xi32, #tpu.memory_space<vmem>>
      %dma_start3A_43 = tpu.memref_squeeze %dma_start3A_42 : memref<1x64xi32, #tpu.memory_space<vmem>> -> memref<64xi32, #tpu.memory_space<vmem>>
      %dma_start3A_44 = tpu.memref_slice %arg3[%mul3A_2] : memref<4096xi32, #tpu.memory_space<hbm>> -> memref<64xi32, #tpu.memory_space<hbm>>
      tpu.enqueue_dma source(%dma_start3A_44 : memref<64xi32, #tpu.memory_space<hbm>>) target(%dma_start3A_43 : memref<64xi32, #tpu.memory_space<vmem>>) target_semaphore(%run_scoped3A_36 : memref<!tpu.dma_semaphore, #tpu.memory_space<semaphore_mem>>)
      %dma_wait3A_45 = arith.constant 0 : i32
      %dma_wait3A_46 = tpu.memref_slice %arg5[%run_scoped3A, %dma_wait3A_45] : memref<2x64xi32, #tpu.memory_space<vmem>> -> memref<1x64xi32, #tpu.memory_space<vmem>>
      %dma_wait3A_47 = tpu.memref_squeeze %dma_wait3A_46 : memref<1x64xi32, #tpu.memory_space<vmem>> -> memref<64xi32, #tpu.memory_space<vmem>>
      %dma_wait3A_48 = tpu.memref_slice %arg3[%mul3A_2] : memref<4096xi32, #tpu.memory_space<hbm>> -> memref<64xi32, #tpu.memory_space<hbm>>
      %dma_wait3A_49 = arith.constant 0 : i32
      %dma_wait3A_50 = tpu.memref_slice %arg5[%run_scoped3A, %dma_wait3A_49] : memref<2x64xi32, #tpu.memory_space<vmem>> -> memref<1x64xi32, #tpu.memory_space<vmem>>
      %dma_wait3A_51 = tpu.memref_squeeze %dma_wait3A_50 : memref<1x64xi32, #tpu.memory_space<vmem>> -> memref<64xi32, #tpu.memory_space<vmem>>
      %dma_wait3A_52 = tpu.memref_slice %arg3[%mul3A_2] : memref<4096xi32, #tpu.memory_space<hbm>> -> memref<64xi32, #tpu.memory_space<hbm>>
      tpu.wait_dma2 semaphore(%run_scoped3A_36 : memref<!tpu.dma_semaphore, #tpu.memory_space<semaphore_mem>>) src(%dma_wait3A_52 : memref<64xi32, #tpu.memory_space<hbm>>) dst(%dma_wait3A_51 : memref<64xi32, #tpu.memory_space<vmem>>)
      tpu.yield
    }) : () -> ()
    %mul3A_3 = arith.constant 64 : i32
    %mul3A_4 = arith.muli %add3A, %mul3A_3 : i32
    %add3A_5 = arith.constant 2048 : i32
    %add3A_6 = arith.addi %add3A_5, %mul3A_4 : i32
    %run_scoped3A_7 = arith.constant 1 : i32
    "tpu.region"() ({
      %run_scoped3A_36 = tpu.sem_alloc : memref<!tpu.dma_semaphore, #tpu.memory_space<semaphore_mem>>
      %dma_start3A_37 = arith.constant 0 : i32
      %dma_start3A_38 = tpu.memref_slice %arg5[%run_scoped3A_7, %dma_start3A_37] : memref<2x64xi32, #tpu.memory_space<vmem>> -> memref<1x64xi32, #tpu.memory_space<vmem>>
      %dma_start3A_39 = tpu.memref_squeeze %dma_start3A_38 : memref<1x64xi32, #tpu.memory_space<vmem>> -> memref<64xi32, #tpu.memory_space<vmem>>
      %dma_start3A_40 = tpu.memref_slice %arg3[%add3A_6] : memref<4096xi32, #tpu.memory_space<hbm>> -> memref<64xi32, #tpu.memory_space<hbm>>
      %dma_start3A_41 = arith.constant 0 : i32
      %dma_start3A_42 = tpu.memref_slice %arg5[%run_scoped3A_7, %dma_start3A_41] : memref<2x64xi32, #tpu.memory_space<vmem>> -> memref<1x64xi32, #tpu.memory_space<vmem>>
      %dma_start3A_43 = tpu.memref_squeeze %dma_start3A_42 : memref<1x64xi32, #tpu.memory_space<vmem>> -> memref<64xi32, #tpu.memory_space<vmem>>
      %dma_start3A_44 = tpu.memref_slice %arg3[%add3A_6] : memref<4096xi32, #tpu.memory_space<hbm>> -> memref<64xi32, #tpu.memory_space<hbm>>
      tpu.enqueue_dma source(%dma_start3A_44 : memref<64xi32, #tpu.memory_space<hbm>>) target(%dma_start3A_43 : memref<64xi32, #tpu.memory_space<vmem>>) target_semaphore(%run_scoped3A_36 : memref<!tpu.dma_semaphore, #tpu.memory_space<semaphore_mem>>)
      %dma_wait3A_45 = arith.constant 0 : i32
      %dma_wait3A_46 = tpu.memref_slice %arg5[%run_scoped3A_7, %dma_wait3A_45] : memref<2x64xi32, #tpu.memory_space<vmem>> -> memref<1x64xi32, #tpu.memory_space<vmem>>
      %dma_wait3A_47 = tpu.memref_squeeze %dma_wait3A_46 : memref<1x64xi32, #tpu.memory_space<vmem>> -> memref<64xi32, #tpu.memory_space<vmem>>
      %dma_wait3A_48 = tpu.memref_slice %arg3[%add3A_6] : memref<4096xi32, #tpu.memory_space<hbm>> -> memref<64xi32, #tpu.memory_space<hbm>>
      %dma_wait3A_49 = arith.constant 0 : i32
      %dma_wait3A_50 = tpu.memref_slice %arg5[%run_scoped3A_7, %dma_wait3A_49] : memref<2x64xi32, #tpu.memory_space<vmem>> -> memref<1x64xi32, #tpu.memory_space<vmem>>
      %dma_wait3A_51 = tpu.memref_squeeze %dma_wait3A_50 : memref<1x64xi32, #tpu.memory_space<vmem>> -> memref<64xi32, #tpu.memory_space<vmem>>
      %dma_wait3A_52 = tpu.memref_slice %arg3[%add3A_6] : memref<4096xi32, #tpu.memory_space<hbm>> -> memref<64xi32, #tpu.memory_space<hbm>>
      tpu.wait_dma2 semaphore(%run_scoped3A_36 : memref<!tpu.dma_semaphore, #tpu.memory_space<semaphore_mem>>) src(%dma_wait3A_52 : memref<64xi32, #tpu.memory_space<hbm>>) dst(%dma_wait3A_51 : memref<64xi32, #tpu.memory_space<vmem>>)
      tpu.yield
    }) : () -> ()
    %mul3A_8 = arith.constant 64 : i32
    %mul3A_9 = arith.muli %add3A, %mul3A_8 : i32
    "tpu.region"() ({
      %run_scoped3A_36 = tpu.sem_alloc : memref<!tpu.dma_semaphore, #tpu.memory_space<semaphore_mem>>
      %dma_start3A_37 = arith.constant 0 : i32
      %dma_start3A_38 = tpu.memref_slice %arg2[%mul3A_9, %dma_start3A_37] : memref<2048x1024xf32, #tpu.memory_space<hbm>> -> memref<64x1024xf32, #tpu.memory_space<hbm>>
      %dma_start3A_39 = arith.constant 0 : i32
      %dma_start3A_40 = tpu.memref_slice %arg2[%mul3A_9, %dma_start3A_39] : memref<2048x1024xf32, #tpu.memory_space<hbm>> -> memref<64x1024xf32, #tpu.memory_space<hbm>>
      tpu.enqueue_dma source(%dma_start3A_40 : memref<64x1024xf32, #tpu.memory_space<hbm>>) target(%arg6 : memref<64x1024xf32, #tpu.memory_space<vmem>>) target_semaphore(%run_scoped3A_36 : memref<!tpu.dma_semaphore, #tpu.memory_space<semaphore_mem>>)
      %dma_wait3A_41 = arith.constant 0 : i32
      %dma_wait3A_42 = tpu.memref_slice %arg2[%mul3A_9, %dma_wait3A_41] : memref<2048x1024xf32, #tpu.memory_space<hbm>> -> memref<64x1024xf32, #tpu.memory_space<hbm>>
      %dma_wait3A_43 = arith.constant 0 : i32
      %dma_wait3A_44 = tpu.memref_slice %arg2[%mul3A_9, %dma_wait3A_43] : memref<2048x1024xf32, #tpu.memory_space<hbm>> -> memref<64x1024xf32, #tpu.memory_space<hbm>>
      tpu.wait_dma2 semaphore(%run_scoped3A_36 : memref<!tpu.dma_semaphore, #tpu.memory_space<semaphore_mem>>) src(%dma_wait3A_44 : memref<64x1024xf32, #tpu.memory_space<hbm>>) dst(%arg6 : memref<64x1024xf32, #tpu.memory_space<vmem>>)
      tpu.yield
    }) : () -> ()
    %dma_start3A = arith.constant 0 : i32
    %dma_start3A_10 = arith.constant 0 : i32
    %dma_start3A_11 = tpu.memref_slice %arg5[%dma_start3A, %dma_start3A_10] : memref<2x64xi32, #tpu.memory_space<vmem>> -> memref<1x64xi32, #tpu.memory_space<vmem>>
    %dma_start3A_12 = tpu.memref_squeeze %dma_start3A_11 : memref<1x64xi32, #tpu.memory_space<vmem>> -> memref<64xi32, #tpu.memory_space<vmem>>
    %dma_start3A_13 = arith.constant 0 : i32
    %dma_start3A_14 = arith.constant 0 : i32
    %dma_start3A_15 = tpu.memref_slice %arg4[%dma_start3A_13, %dma_start3A_14] : memref<5888x1024xf32, #tpu.memory_space<hbm>> -> memref<5888x1024xf32, #tpu.memory_space<hbm>>
    tpu.enqueue_indirect_dma source(%arg6 : memref<64x1024xf32, #tpu.memory_space<vmem>>) target(%dma_start3A_15 : memref<5888x1024xf32, #tpu.memory_space<hbm>>) offsets(%dma_start3A_12 : memref<64xi32, #tpu.memory_space<vmem>>) semaphore(%arg7 : memref<!tpu.dma_semaphore, #tpu.memory_space<semaphore_mem>>)
    %dma_start3A_16 = arith.constant 1 : i32
    %dma_start3A_17 = arith.constant 0 : i32
    %dma_start3A_18 = tpu.memref_slice %arg5[%dma_start3A_16, %dma_start3A_17] : memref<2x64xi32, #tpu.memory_space<vmem>> -> memref<1x64xi32, #tpu.memory_space<vmem>>
    %dma_start3A_19 = tpu.memref_squeeze %dma_start3A_18 : memref<1x64xi32, #tpu.memory_space<vmem>> -> memref<64xi32, #tpu.memory_space<vmem>>
    %dma_start3A_20 = arith.constant 0 : i32
    %dma_start3A_21 = arith.constant 0 : i32
    %dma_start3A_22 = tpu.memref_slice %arg4[%dma_start3A_20, %dma_start3A_21] : memref<5888x1024xf32, #tpu.memory_space<hbm>> -> memref<5888x1024xf32, #tpu.memory_space<hbm>>
    tpu.enqueue_indirect_dma source(%arg6 : memref<64x1024xf32, #tpu.memory_space<vmem>>) target(%dma_start3A_22 : memref<5888x1024xf32, #tpu.memory_space<hbm>>) offsets(%dma_start3A_19 : memref<64xi32, #tpu.memory_space<vmem>>) semaphore(%arg7 : memref<!tpu.dma_semaphore, #tpu.memory_space<semaphore_mem>>)
    %dma_wait3A = arith.constant 0 : i32
    %dma_wait3A_23 = arith.constant 0 : i32
    %dma_wait3A_24 = tpu.memref_slice %arg5[%dma_wait3A, %dma_wait3A_23] : memref<2x64xi32, #tpu.memory_space<vmem>> -> memref<1x64xi32, #tpu.memory_space<vmem>>
    %dma_wait3A_25 = tpu.memref_squeeze %dma_wait3A_24 : memref<1x64xi32, #tpu.memory_space<vmem>> -> memref<64xi32, #tpu.memory_space<vmem>>
    %dma_wait3A_26 = arith.constant 0 : i32
    %dma_wait3A_27 = arith.constant 0 : i32
    %dma_wait3A_28 = tpu.memref_slice %arg4[%dma_wait3A_26, %dma_wait3A_27] : memref<5888x1024xf32, #tpu.memory_space<hbm>> -> memref<5888x1024xf32, #tpu.memory_space<hbm>>
    tpu.wait_indirect_dma semaphore(%arg7 : memref<!tpu.dma_semaphore, #tpu.memory_space<semaphore_mem>>) src(%arg6 : memref<64x1024xf32, #tpu.memory_space<vmem>>) dst(%dma_wait3A_28 : memref<5888x1024xf32, #tpu.memory_space<hbm>>)
    %dma_wait3A_29 = arith.constant 1 : i32
    %dma_wait3A_30 = arith.constant 0 : i32
    %dma_wait3A_31 = tpu.memref_slice %arg5[%dma_wait3A_29, %dma_wait3A_30] : memref<2x64xi32, #tpu.memory_space<vmem>> -> memref<1x64xi32, #tpu.memory_space<vmem>>
    %dma_wait3A_32 = tpu.memref_squeeze %dma_wait3A_31 : memref<1x64xi32, #tpu.memory_space<vmem>> -> memref<64xi32, #tpu.memory_space<vmem>>
    %dma_wait3A_33 = arith.constant 0 : i32
    %dma_wait3A_34 = arith.constant 0 : i32
    %dma_wait3A_35 = tpu.memref_slice %arg4[%dma_wait3A_33, %dma_wait3A_34] : memref<5888x1024xf32, #tpu.memory_space<hbm>> -> memref<5888x1024xf32, #tpu.memory_space<hbm>>
    tpu.wait_indirect_dma semaphore(%arg7 : memref<!tpu.dma_semaphore, #tpu.memory_space<semaphore_mem>>) src(%arg6 : memref<64x1024xf32, #tpu.memory_space<vmem>>) dst(%dma_wait3A_35 : memref<5888x1024xf32, #tpu.memory_space<hbm>>)
    return
  }
}

module attributes {stable_mosaic.version = 14 : i64} {
  func.func @_ffn_body(%arg0: i32, %arg1: memref<23x8xi32, #tpu.memory_space<smem>>, %arg2: memref<256x1024xf32, #tpu.memory_space<vmem>>, %arg3: memref<8x1024x1024xf32, #tpu.memory_space<any>>, %arg4: memref<8x1024x1024xf32, #tpu.memory_space<any>>, %arg5: memref<256x1024xf32, #tpu.memory_space<vmem>>, %arg6: memref<2x1024x1024xf32, #tpu.memory_space<vmem>>, %arg7: memref<2x1024x1024xf32, #tpu.memory_space<vmem>>, %arg8: memref<!tpu.dma_semaphore, #tpu.memory_space<semaphore_mem>>, %arg9: memref<!tpu.dma_semaphore, #tpu.memory_space<semaphore_mem>>) attributes {dimension_semantics = [#tpu.dimension_semantics<arbitrary>], iteration_bounds = array<i64: -9223372036854775808>, scalar_prefetch = 1 : i64, scratch_operands = 4 : i64, tpu.core_type = #tpu.core_type<tc>, window_params = [{transform_indices = @transform_0, window_bounds = array<i64: 256, 1024>}, {}, {}, {transform_indices = @transform_3, window_bounds = array<i64: 256, 1024>}]} {
    %get3A = arith.index_cast %arg0 : i32 to index
    %get3A_0 = arith.constant 2 : index
    %get3A_1 = memref.load %arg1[%get3A, %get3A_0] : memref<23x8xi32, #tpu.memory_space<smem>>
    %eq3A = arith.constant 0 : i32
    %eq3A_2 = arith.cmpi eq, %arg0, %eq3A : i32
    %convert_element_type3A = arith.extui %eq3A_2 : i1 to i32
    %cond3A = arith.constant 0 : i32
    %cond3A_3 = arith.cmpi ne, %convert_element_type3A, %cond3A : i32
    scf.if %cond3A_3 {
      %get3A_45 = arith.constant 0 : index
      %get3A_46 = arith.constant 0 : index
      %get3A_47 = memref.load %arg1[%get3A_45, %get3A_46] : memref<23x8xi32, #tpu.memory_space<smem>>
      %dma_start3A = arith.constant 0 : i32
      %dma_start3A_48 = arith.constant 0 : i32
      %dma_start3A_49 = arith.constant 0 : i32
      %dma_start3A_50 = tpu.memref_slice %arg6[%dma_start3A, %dma_start3A_48, %dma_start3A_49] : memref<2x1024x1024xf32, #tpu.memory_space<vmem>> -> memref<1x1024x1024xf32, #tpu.memory_space<vmem>>
      %dma_start3A_51 = tpu.memref_squeeze %dma_start3A_50 : memref<1x1024x1024xf32, #tpu.memory_space<vmem>> -> memref<1024x1024xf32, #tpu.memory_space<vmem>>
      %dma_start3A_52 = arith.constant 0 : i32
      %dma_start3A_53 = arith.constant 0 : i32
      %dma_start3A_54 = tpu.memref_slice %arg3[%get3A_47, %dma_start3A_52, %dma_start3A_53] : memref<8x1024x1024xf32, #tpu.memory_space<any>> -> memref<1x1024x1024xf32, #tpu.memory_space<any>>
      %dma_start3A_55 = tpu.memref_squeeze %dma_start3A_54 : memref<1x1024x1024xf32, #tpu.memory_space<any>> -> memref<1024x1024xf32, #tpu.memory_space<any>>
      tpu.enqueue_dma source(%dma_start3A_55 : memref<1024x1024xf32, #tpu.memory_space<any>>) target(%dma_start3A_51 : memref<1024x1024xf32, #tpu.memory_space<vmem>>) target_semaphore(%arg8 : memref<!tpu.dma_semaphore, #tpu.memory_space<semaphore_mem>>)
      %get3A_56 = arith.constant 0 : index
      %get3A_57 = arith.constant 0 : index
      %get3A_58 = memref.load %arg1[%get3A_56, %get3A_57] : memref<23x8xi32, #tpu.memory_space<smem>>
      %dma_start3A_59 = arith.constant 0 : i32
      %dma_start3A_60 = arith.constant 0 : i32
      %dma_start3A_61 = arith.constant 0 : i32
      %dma_start3A_62 = tpu.memref_slice %arg7[%dma_start3A_59, %dma_start3A_60, %dma_start3A_61] : memref<2x1024x1024xf32, #tpu.memory_space<vmem>> -> memref<1x1024x1024xf32, #tpu.memory_space<vmem>>
      %dma_start3A_63 = tpu.memref_squeeze %dma_start3A_62 : memref<1x1024x1024xf32, #tpu.memory_space<vmem>> -> memref<1024x1024xf32, #tpu.memory_space<vmem>>
      %dma_start3A_64 = arith.constant 0 : i32
      %dma_start3A_65 = arith.constant 0 : i32
      %dma_start3A_66 = tpu.memref_slice %arg4[%get3A_58, %dma_start3A_64, %dma_start3A_65] : memref<8x1024x1024xf32, #tpu.memory_space<any>> -> memref<1x1024x1024xf32, #tpu.memory_space<any>>
      %dma_start3A_67 = tpu.memref_squeeze %dma_start3A_66 : memref<1x1024x1024xf32, #tpu.memory_space<any>> -> memref<1024x1024xf32, #tpu.memory_space<any>>
      tpu.enqueue_dma source(%dma_start3A_67 : memref<1024x1024xf32, #tpu.memory_space<any>>) target(%dma_start3A_63 : memref<1024x1024xf32, #tpu.memory_space<vmem>>) target_semaphore(%arg9 : memref<!tpu.dma_semaphore, #tpu.memory_space<semaphore_mem>>)
    } else {
    }
    %get3A_4 = arith.index_cast %arg0 : i32 to index
    %get3A_5 = arith.constant 1 : index
    %get3A_6 = memref.load %arg1[%get3A_4, %get3A_5] : memref<23x8xi32, #tpu.memory_space<smem>>
    %eq3A_7 = arith.constant 1 : i32
    %eq3A_8 = arith.cmpi eq, %get3A_6, %eq3A_7 : i32
    %convert_element_type3A_9 = arith.extui %eq3A_8 : i1 to i32
    %cond3A_10 = arith.constant 0 : i32
    %cond3A_11 = arith.cmpi ne, %convert_element_type3A_9, %cond3A_10 : i32
    scf.if %cond3A_11 {
      %get3A_45 = arith.index_cast %arg0 : i32 to index
      %get3A_46 = arith.constant 0 : index
      %get3A_47 = memref.load %arg1[%get3A_45, %get3A_46] : memref<23x8xi32, #tpu.memory_space<smem>>
      %dma_wait3A = arith.constant 0 : i32
      %dma_wait3A_48 = arith.constant 0 : i32
      %dma_wait3A_49 = tpu.memref_slice %arg6[%get3A_1, %dma_wait3A, %dma_wait3A_48] : memref<2x1024x1024xf32, #tpu.memory_space<vmem>> -> memref<1x1024x1024xf32, #tpu.memory_space<vmem>>
      %dma_wait3A_50 = tpu.memref_squeeze %dma_wait3A_49 : memref<1x1024x1024xf32, #tpu.memory_space<vmem>> -> memref<1024x1024xf32, #tpu.memory_space<vmem>>
      %dma_wait3A_51 = arith.constant 0 : i32
      %dma_wait3A_52 = arith.constant 0 : i32
      %dma_wait3A_53 = tpu.memref_slice %arg3[%get3A_47, %dma_wait3A_51, %dma_wait3A_52] : memref<8x1024x1024xf32, #tpu.memory_space<any>> -> memref<1x1024x1024xf32, #tpu.memory_space<any>>
      %dma_wait3A_54 = tpu.memref_squeeze %dma_wait3A_53 : memref<1x1024x1024xf32, #tpu.memory_space<any>> -> memref<1024x1024xf32, #tpu.memory_space<any>>
      tpu.wait_dma2 semaphore(%arg8 : memref<!tpu.dma_semaphore, #tpu.memory_space<semaphore_mem>>) src(%dma_wait3A_54 : memref<1024x1024xf32, #tpu.memory_space<any>>) dst(%dma_wait3A_50 : memref<1024x1024xf32, #tpu.memory_space<vmem>>)
      %get3A_55 = arith.index_cast %arg0 : i32 to index
      %get3A_56 = arith.constant 0 : index
      %get3A_57 = memref.load %arg1[%get3A_55, %get3A_56] : memref<23x8xi32, #tpu.memory_space<smem>>
      %dma_wait3A_58 = arith.constant 0 : i32
      %dma_wait3A_59 = arith.constant 0 : i32
      %dma_wait3A_60 = tpu.memref_slice %arg7[%get3A_1, %dma_wait3A_58, %dma_wait3A_59] : memref<2x1024x1024xf32, #tpu.memory_space<vmem>> -> memref<1x1024x1024xf32, #tpu.memory_space<vmem>>
      %dma_wait3A_61 = tpu.memref_squeeze %dma_wait3A_60 : memref<1x1024x1024xf32, #tpu.memory_space<vmem>> -> memref<1024x1024xf32, #tpu.memory_space<vmem>>
      %dma_wait3A_62 = arith.constant 0 : i32
      %dma_wait3A_63 = arith.constant 0 : i32
      %dma_wait3A_64 = tpu.memref_slice %arg4[%get3A_57, %dma_wait3A_62, %dma_wait3A_63] : memref<8x1024x1024xf32, #tpu.memory_space<any>> -> memref<1x1024x1024xf32, #tpu.memory_space<any>>
      %dma_wait3A_65 = tpu.memref_squeeze %dma_wait3A_64 : memref<1x1024x1024xf32, #tpu.memory_space<any>> -> memref<1024x1024xf32, #tpu.memory_space<any>>
      tpu.wait_dma2 semaphore(%arg9 : memref<!tpu.dma_semaphore, #tpu.memory_space<semaphore_mem>>) src(%dma_wait3A_65 : memref<1024x1024xf32, #tpu.memory_space<any>>) dst(%dma_wait3A_61 : memref<1024x1024xf32, #tpu.memory_space<vmem>>)
    } else {
    }
    %get3A_12 = arith.index_cast %arg0 : i32 to index
    %get3A_13 = arith.constant 1 : index
    %get3A_14 = memref.load %arg1[%get3A_12, %get3A_13] : memref<23x8xi32, #tpu.memory_space<smem>>
    %eq3A_15 = arith.constant 1 : i32
    %eq3A_16 = arith.cmpi eq, %get3A_14, %eq3A_15 : i32
    %get3A_17 = arith.index_cast %arg0 : i32 to index
    %get3A_18 = arith.constant 4 : index
    %get3A_19 = memref.load %arg1[%get3A_17, %get3A_18] : memref<23x8xi32, #tpu.memory_space<smem>>
    %eq3A_20 = arith.constant 1 : i32
    %eq3A_21 = arith.cmpi eq, %get3A_19, %eq3A_20 : i32
    %and3A = arith.andi %eq3A_16, %eq3A_21 : i1
    %convert_element_type3A_22 = arith.extui %and3A : i1 to i32
    %cond3A_23 = arith.constant 0 : i32
    %cond3A_24 = arith.cmpi ne, %convert_element_type3A_22, %cond3A_23 : i32
    scf.if %cond3A_24 {
      %get3A_45 = arith.index_cast %arg0 : i32 to index
      %get3A_46 = arith.constant 3 : index
      %get3A_47 = memref.load %arg1[%get3A_45, %get3A_46] : memref<23x8xi32, #tpu.memory_space<smem>>
      %sub3A = arith.constant 1 : i32
      %sub3A_48 = arith.subi %sub3A, %get3A_1 : i32
      %dma_start3A = arith.constant 0 : i32
      %dma_start3A_49 = arith.constant 0 : i32
      %dma_start3A_50 = tpu.memref_slice %arg6[%sub3A_48, %dma_start3A, %dma_start3A_49] : memref<2x1024x1024xf32, #tpu.memory_space<vmem>> -> memref<1x1024x1024xf32, #tpu.memory_space<vmem>>
      %dma_start3A_51 = tpu.memref_squeeze %dma_start3A_50 : memref<1x1024x1024xf32, #tpu.memory_space<vmem>> -> memref<1024x1024xf32, #tpu.memory_space<vmem>>
      %dma_start3A_52 = arith.constant 0 : i32
      %dma_start3A_53 = arith.constant 0 : i32
      %dma_start3A_54 = tpu.memref_slice %arg3[%get3A_47, %dma_start3A_52, %dma_start3A_53] : memref<8x1024x1024xf32, #tpu.memory_space<any>> -> memref<1x1024x1024xf32, #tpu.memory_space<any>>
      %dma_start3A_55 = tpu.memref_squeeze %dma_start3A_54 : memref<1x1024x1024xf32, #tpu.memory_space<any>> -> memref<1024x1024xf32, #tpu.memory_space<any>>
      tpu.enqueue_dma source(%dma_start3A_55 : memref<1024x1024xf32, #tpu.memory_space<any>>) target(%dma_start3A_51 : memref<1024x1024xf32, #tpu.memory_space<vmem>>) target_semaphore(%arg8 : memref<!tpu.dma_semaphore, #tpu.memory_space<semaphore_mem>>)
      %sub3A_56 = arith.constant 1 : i32
      %sub3A_57 = arith.subi %sub3A_56, %get3A_1 : i32
      %dma_start3A_58 = arith.constant 0 : i32
      %dma_start3A_59 = arith.constant 0 : i32
      %dma_start3A_60 = tpu.memref_slice %arg7[%sub3A_57, %dma_start3A_58, %dma_start3A_59] : memref<2x1024x1024xf32, #tpu.memory_space<vmem>> -> memref<1x1024x1024xf32, #tpu.memory_space<vmem>>
      %dma_start3A_61 = tpu.memref_squeeze %dma_start3A_60 : memref<1x1024x1024xf32, #tpu.memory_space<vmem>> -> memref<1024x1024xf32, #tpu.memory_space<vmem>>
      %dma_start3A_62 = arith.constant 0 : i32
      %dma_start3A_63 = arith.constant 0 : i32
      %dma_start3A_64 = tpu.memref_slice %arg4[%get3A_47, %dma_start3A_62, %dma_start3A_63] : memref<8x1024x1024xf32, #tpu.memory_space<any>> -> memref<1x1024x1024xf32, #tpu.memory_space<any>>
      %dma_start3A_65 = tpu.memref_squeeze %dma_start3A_64 : memref<1x1024x1024xf32, #tpu.memory_space<any>> -> memref<1024x1024xf32, #tpu.memory_space<any>>
      tpu.enqueue_dma source(%dma_start3A_65 : memref<1024x1024xf32, #tpu.memory_space<any>>) target(%dma_start3A_61 : memref<1024x1024xf32, #tpu.memory_space<vmem>>) target_semaphore(%arg9 : memref<!tpu.dma_semaphore, #tpu.memory_space<semaphore_mem>>)
    } else {
    }
    %get3A_25 = arith.constant 0 : index
    %get3A_26 = arith.constant 0 : index
    %get3A_27 = vector.load %arg2[%get3A_25, %get3A_26] : memref<256x1024xf32, #tpu.memory_space<vmem>>, vector<256x1024xf32>
    %get3A_28 = arith.index_cast %get3A_1 : i32 to index
    %get3A_29 = arith.constant 0 : index
    %get3A_30 = arith.constant 0 : index
    %get3A_31 = vector.load %arg6[%get3A_28, %get3A_29, %get3A_30] : memref<2x1024x1024xf32, #tpu.memory_space<vmem>>, vector<1x1024x1024xf32>
    %get3A_32 = vector.shape_cast %get3A_31 : vector<1x1024x1024xf32> to vector<1024x1024xf32>
    %dot_general3A = arith.constant dense<0.000000e+00> : vector<256x1024xf32>
    %dot_general3A_33 = tpu.matmul %get3A_27, %get3A_32, %dot_general3A {dimension_numbers = #tpu.dot_dimension_numbers<[1], [1], [0], [0], [0, 0, 1, 0], [], []>, transpose_lhs_hint = false} : vector<256x1024xf32>, vector<1024x1024xf32>, vector<256x1024xf32> -> vector<256x1024xf32>
    %max3A = arith.constant 0.000000e+00 : f32
    %max3A_34 = vector.broadcast %max3A : f32 to vector<256x1024xf32>
    %max3A_35 = arith.maximumf %dot_general3A_33, %max3A_34 : vector<256x1024xf32>
    %square3A = arith.mulf %max3A_35, %max3A_35 : vector<256x1024xf32>
    %get3A_36 = arith.index_cast %get3A_1 : i32 to index
    %get3A_37 = arith.constant 0 : index
    %get3A_38 = arith.constant 0 : index
    %get3A_39 = vector.load %arg7[%get3A_36, %get3A_37, %get3A_38] : memref<2x1024x1024xf32, #tpu.memory_space<vmem>>, vector<1x1024x1024xf32>
    %get3A_40 = vector.shape_cast %get3A_39 : vector<1x1024x1024xf32> to vector<1024x1024xf32>
    %dot_general3A_41 = arith.constant dense<0.000000e+00> : vector<256x1024xf32>
    %dot_general3A_42 = tpu.matmul %square3A, %get3A_40, %dot_general3A_41 {dimension_numbers = #tpu.dot_dimension_numbers<[1], [1], [0], [0], [0, 0, 1, 0], [], []>, transpose_lhs_hint = false} : vector<256x1024xf32>, vector<1024x1024xf32>, vector<256x1024xf32> -> vector<256x1024xf32>
    %swap3A = arith.constant 0 : index
    %swap3A_43 = arith.constant 0 : index
    %swap3A_44 = vector.load %arg5[%swap3A, %swap3A_43] : memref<256x1024xf32, #tpu.memory_space<vmem>>, vector<256x1024xf32>
    tpu.vector_store %arg5[%swap3A, %swap3A_43], %dot_general3A_42 {strides = array<i32>} : memref<256x1024xf32, #tpu.memory_space<vmem>>, vector<256x1024xf32>,
    return
  }
  func.func @transform_0(%arg0: i32, %arg1: memref<23x8xi32, #tpu.memory_space<smem>>) -> (i32, i32) {
    %c0_i32 = arith.constant 0 : i32
    %c0_i32_0 = arith.constant 0 : i32
    return %arg0, %c0_i32 : i32, i32
  }
  func.func @transform_3(%arg0: i32, %arg1: memref<23x8xi32, #tpu.memory_space<smem>>) -> (i32, i32) {
    %c0_i32 = arith.constant 0 : i32
    %c0_i32_0 = arith.constant 0 : i32
    return %arg0, %c0_i32 : i32, i32
  }
}

module attributes {stable_mosaic.version = 14 : i64} {
  func.func @_shared_body(%arg0: i32, %arg1: memref<256x1024xf32, #tpu.memory_space<vmem>>, %arg2: memref<1024x1024xf32, #tpu.memory_space<vmem>>, %arg3: memref<1024x1024xf32, #tpu.memory_space<vmem>>, %arg4: memref<256x1024xbf16, #tpu.memory_space<vmem>>) attributes {dimension_semantics = [#tpu.dimension_semantics<arbitrary>], iteration_bounds = array<i64: 8>, scalar_prefetch = 0 : i64, scratch_operands = 0 : i64, tpu.core_type = #tpu.core_type<tc>, window_params = [{transform_indices = @transform_0, window_bounds = array<i64: 256, 1024>}, {pipeline_mode = #tpu.pipeline_mode<synchronous>, transform_indices = @transform_1, window_bounds = array<i64: 1024, 1024>}, {pipeline_mode = #tpu.pipeline_mode<synchronous>, transform_indices = @transform_2, window_bounds = array<i64: 1024, 1024>}, {transform_indices = @transform_3, window_bounds = array<i64: 256, 1024>}]} {
    %get3A = arith.constant 0 : index
    %get3A_0 = arith.constant 0 : index
    %get3A_1 = vector.load %arg1[%get3A, %get3A_0] : memref<256x1024xf32, #tpu.memory_space<vmem>>, vector<256x1024xf32>
    %get3A_2 = arith.constant 0 : index
    %get3A_3 = arith.constant 0 : index
    %get3A_4 = vector.load %arg2[%get3A_2, %get3A_3] : memref<1024x1024xf32, #tpu.memory_space<vmem>>, vector<1024x1024xf32>
    %dot_general3A = arith.constant dense<0.000000e+00> : vector<256x1024xf32>
    %dot_general3A_5 = tpu.matmul %get3A_1, %get3A_4, %dot_general3A {dimension_numbers = #tpu.dot_dimension_numbers<[1], [1], [0], [0], [0, 0, 1, 0], [], []>, transpose_lhs_hint = false} : vector<256x1024xf32>, vector<1024x1024xf32>, vector<256x1024xf32> -> vector<256x1024xf32>
    %max3A = arith.constant 0.000000e+00 : f32
    %max3A_6 = vector.broadcast %max3A : f32 to vector<256x1024xf32>
    %max3A_7 = arith.maximumf %dot_general3A_5, %max3A_6 : vector<256x1024xf32>
    %square3A = arith.mulf %max3A_7, %max3A_7 : vector<256x1024xf32>
    %get3A_8 = arith.constant 0 : index
    %get3A_9 = arith.constant 0 : index
    %get3A_10 = vector.load %arg3[%get3A_8, %get3A_9] : memref<1024x1024xf32, #tpu.memory_space<vmem>>, vector<1024x1024xf32>
    %dot_general3A_11 = arith.constant dense<0.000000e+00> : vector<256x1024xf32>
    %dot_general3A_12 = tpu.matmul %square3A, %get3A_10, %dot_general3A_11 {dimension_numbers = #tpu.dot_dimension_numbers<[1], [1], [0], [0], [0, 0, 1, 0], [], []>, transpose_lhs_hint = false} : vector<256x1024xf32>, vector<1024x1024xf32>, vector<256x1024xf32> -> vector<256x1024xf32>
    %convert_element_type3A = arith.truncf %dot_general3A_12 : vector<256x1024xf32> to vector<256x1024xbf16>
    %swap3A = arith.constant 0 : index
    %swap3A_13 = arith.constant 0 : index
    %swap3A_14 = vector.load %arg4[%swap3A, %swap3A_13] : memref<256x1024xbf16, #tpu.memory_space<vmem>>, vector<256x1024xbf16>
    tpu.vector_store %arg4[%swap3A, %swap3A_13], %convert_element_type3A {strides = array<i32>} : memref<256x1024xbf16, #tpu.memory_space<vmem>>, vector<256x1024xbf16>,
    return
  }
  func.func @transform_0(%arg0: i32) -> (i32, i32) {
    %c0_i32 = arith.constant 0 : i32
    %c0_i32_0 = arith.constant 0 : i32
    return %arg0, %c0_i32 : i32, i32
  }
  func.func @transform_1(%arg0: i32) -> (i32, i32) {
    %c0_i32 = arith.constant 0 : i32
    %c0_i32_0 = arith.constant 0 : i32
    %c0_i32_1 = arith.constant 0 : i32
    return %c0_i32, %c0_i32_0 : i32, i32
  }
  func.func @transform_2(%arg0: i32) -> (i32, i32) {
    %c0_i32 = arith.constant 0 : i32
    %c0_i32_0 = arith.constant 0 : i32
    %c0_i32_1 = arith.constant 0 : i32
    return %c0_i32, %c0_i32_0 : i32, i32
  }
  func.func @transform_3(%arg0: i32) -> (i32, i32) {
    %c0_i32 = arith.constant 0 : i32
    %c0_i32_0 = arith.constant 0 : i32
    return %arg0, %c0_i32 : i32, i32
  }
}

module attributes {stable_mosaic.version = 14 : i64} {
  func.func @_router_body(%arg0: memref<2048x1024xf32, #tpu.memory_space<vmem>>, %arg1: memref<8x1024xf32, #tpu.memory_space<vmem>>, %arg2: memref<1x8xf32, #tpu.memory_space<vmem>>, %arg3: memref<2048x1xf32, #tpu.memory_space<vmem>>, %arg4: memref<2048x1xf32, #tpu.memory_space<vmem>>, %arg5: memref<4096x1xi32, #tpu.memory_space<vmem>>, %arg6: memref<23x8xi32, #tpu.memory_space<vmem>>, %arg7: memref<1x1xi32, #tpu.memory_space<vmem>>) attributes {dimension_semantics = [], scalar_prefetch = 0 : i64, scratch_operands = 0 : i64, tpu.core_type = #tpu.core_type<tc>} {
    %get3A = arith.constant 0 : index
    %get3A_0 = arith.constant 0 : index
    %get3A_1 = vector.load %arg0[%get3A, %get3A_0] : memref<2048x1024xf32, #tpu.memory_space<vmem>>, vector<2048x1024xf32>
    %get3A_2 = arith.constant 0 : index
    %get3A_3 = arith.constant 0 : index
    %get3A_4 = vector.load %arg1[%get3A_2, %get3A_3] : memref<8x1024xf32, #tpu.memory_space<vmem>>, vector<8x1024xf32>
    %dot_general3A = arith.constant dense<0.000000e+00> : vector<2048x8xf32>
    %dot_general3A_5 = tpu.matmul %get3A_1, %get3A_4, %dot_general3A {dimension_numbers = #tpu.dot_dimension_numbers<[1], [1], [0], [0], [0, 0, 1, 0], [], []>, transpose_lhs_hint = false} : vector<2048x1024xf32>, vector<8x1024xf32>, vector<2048x8xf32> -> vector<2048x8xf32>
    %get3A_6 = arith.constant 0 : index
    %get3A_7 = arith.constant 0 : index
    %get3A_8 = vector.load %arg2[%get3A_6, %get3A_7] : memref<1x8xf32, #tpu.memory_space<vmem>>, vector<1x8xf32>
    %add3A = vector.broadcast %get3A_8 : vector<1x8xf32> to vector<2048x8xf32>
    %add3A_9 = arith.addf %dot_general3A_5, %add3A : vector<2048x8xf32>
    %iota3A = tpu.iota {dimensions = array<i32: 1>} : vector<2048x8xi32>
    %reduce_max3A = arith.constant dense<0xFF800000> : vector<2048xf32>
    %reduce_max3A_10 = vector.multi_reduction <maximumf>, %add3A_9, %reduce_max3A [1] : vector<2048x8xf32> to vector<2048xf32>
    %broadcast_in_dim3A = vector.shape_cast %reduce_max3A_10 : vector<2048xf32> to vector<2048x1xf32>
    %ge3A = vector.broadcast %broadcast_in_dim3A : vector<2048x1xf32> to vector<2048x8xf32>
    %ge3A_11 = arith.cmpf oge, %add3A_9, %ge3A : vector<2048x8xf32>
    %jit3A = arith.constant 8 : i32
    %broadcast_in_dim3A_12 = vector.broadcast %jit3A : i32 to vector<2048x8xi32>
    %select_n3A = arith.select %ge3A_11, %iota3A, %broadcast_in_dim3A_12 : vector<2048x8xi1>, vector<2048x8xi32>
    %reduce_min3A = arith.constant dense<2147483647> : vector<2048xi32>
    %reduce_min3A_13 = vector.multi_reduction <minsi>, %select_n3A, %reduce_min3A [1] : vector<2048x8xi32> to vector<2048xi32>
    %broadcast_in_dim3A_14 = vector.shape_cast %reduce_min3A_13 : vector<2048xi32> to vector<2048x1xi32>
    %eq3A = vector.broadcast %broadcast_in_dim3A_14 : vector<2048x1xi32> to vector<2048x8xi32>
    %eq3A_15 = arith.cmpi eq, %iota3A, %eq3A : vector<2048x8xi32>
    %jit3A_16 = arith.constant 0.000000e+00 : f32
    %broadcast_in_dim3A_17 = vector.broadcast %jit3A_16 : f32 to vector<2048x8xf32>
    %select_n3A_18 = arith.select %eq3A_15, %dot_general3A_5, %broadcast_in_dim3A_17 : vector<2048x8xi1>, vector<2048x8xf32>
    %reduce_sum3A = arith.constant dense<0.000000e+00> : vector<2048xf32>
    %reduce_sum3A_19 = vector.multi_reduction <add>, %select_n3A_18, %reduce_sum3A [1] : vector<2048x8xf32> to vector<2048xf32>
    %broadcast_in_dim3A_20 = vector.shape_cast %reduce_sum3A_19 : vector<2048xf32> to vector<2048x1xf32>
    %jit3A_21 = arith.constant -1.000000e+30 : f32
    %broadcast_in_dim3A_22 = vector.broadcast %jit3A_21 : f32 to vector<2048x8xf32>
    %select_n3A_23 = arith.select %eq3A_15, %broadcast_in_dim3A_22, %add3A_9 : vector<2048x8xi1>, vector<2048x8xf32>
    %reduce_max3A_24 = arith.constant dense<0xFF800000> : vector<2048xf32>
    %reduce_max3A_25 = vector.multi_reduction <maximumf>, %select_n3A_23, %reduce_max3A_24 [1] : vector<2048x8xf32> to vector<2048xf32>
    %broadcast_in_dim3A_26 = vector.shape_cast %reduce_max3A_25 : vector<2048xf32> to vector<2048x1xf32>
    %ge3A_27 = vector.broadcast %broadcast_in_dim3A_26 : vector<2048x1xf32> to vector<2048x8xf32>
    %ge3A_28 = arith.cmpf oge, %select_n3A_23, %ge3A_27 : vector<2048x8xf32>
    %jit3A_29 = arith.constant 8 : i32
    %broadcast_in_dim3A_30 = vector.broadcast %jit3A_29 : i32 to vector<2048x8xi32>
    %select_n3A_31 = arith.select %ge3A_28, %iota3A, %broadcast_in_dim3A_30 : vector<2048x8xi1>, vector<2048x8xi32>
    %reduce_min3A_32 = arith.constant dense<2147483647> : vector<2048xi32>
    %reduce_min3A_33 = vector.multi_reduction <minsi>, %select_n3A_31, %reduce_min3A_32 [1] : vector<2048x8xi32> to vector<2048xi32>
    %broadcast_in_dim3A_34 = vector.shape_cast %reduce_min3A_33 : vector<2048xi32> to vector<2048x1xi32>
    %eq3A_35 = vector.broadcast %broadcast_in_dim3A_34 : vector<2048x1xi32> to vector<2048x8xi32>
    %eq3A_36 = arith.cmpi eq, %iota3A, %eq3A_35 : vector<2048x8xi32>
    %jit3A_37 = arith.constant 0.000000e+00 : f32
    %broadcast_in_dim3A_38 = vector.broadcast %jit3A_37 : f32 to vector<2048x8xf32>
    %select_n3A_39 = arith.select %eq3A_36, %dot_general3A_5, %broadcast_in_dim3A_38 : vector<2048x8xi1>, vector<2048x8xf32>
    %reduce_sum3A_40 = arith.constant dense<0.000000e+00> : vector<2048xf32>
    %reduce_sum3A_41 = vector.multi_reduction <add>, %select_n3A_39, %reduce_sum3A_40 [1] : vector<2048x8xf32> to vector<2048xf32>
    %broadcast_in_dim3A_42 = vector.shape_cast %reduce_sum3A_41 : vector<2048xf32> to vector<2048x1xf32>
    %neg3A = arith.constant 0.000000e+00 : f32
    %neg3A_43 = vector.broadcast %neg3A : f32 to vector<2048x1xf32>
    %neg3A_44 = arith.subf %neg3A_43, %broadcast_in_dim3A_20 : vector<2048x1xf32>
    %exp3A = math.exp %neg3A_44 : vector<2048x1xf32>
    %add3A_45 = arith.constant 1.000000e+00 : f32
    %add3A_46 = vector.broadcast %add3A_45 : f32 to vector<2048x1xf32>
    %add3A_47 = arith.addf %add3A_46, %exp3A : vector<2048x1xf32>
    %div3A = arith.constant 1.000000e+00 : f32
    %div3A_48 = vector.broadcast %div3A : f32 to vector<2048x1xf32>
    %div3A_49 = arith.divf %div3A_48, %add3A_47 : vector<2048x1xf32>
    %neg3A_50 = arith.constant 0.000000e+00 : f32
    %neg3A_51 = vector.broadcast %neg3A_50 : f32 to vector<2048x1xf32>
    %neg3A_52 = arith.subf %neg3A_51, %broadcast_in_dim3A_42 : vector<2048x1xf32>
    %exp3A_53 = math.exp %neg3A_52 : vector<2048x1xf32>
    %add3A_54 = arith.constant 1.000000e+00 : f32
    %add3A_55 = vector.broadcast %add3A_54 : f32 to vector<2048x1xf32>
    %add3A_56 = arith.addf %add3A_55, %exp3A_53 : vector<2048x1xf32>
    %div3A_57 = arith.constant 1.000000e+00 : f32
    %div3A_58 = vector.broadcast %div3A_57 : f32 to vector<2048x1xf32>
    %div3A_59 = arith.divf %div3A_58, %add3A_56 : vector<2048x1xf32>
    %add3A_60 = arith.addf %div3A_49, %div3A_59 : vector<2048x1xf32>
    %add3A_61 = arith.constant 9.99999997E-7 : f32
    %add3A_62 = vector.broadcast %add3A_61 : f32 to vector<2048x1xf32>
    %add3A_63 = arith.addf %add3A_60, %add3A_62 : vector<2048x1xf32>
    %div3A_64 = arith.divf %div3A_49, %add3A_63 : vector<2048x1xf32>
    %swap3A = arith.constant 0 : index
    %swap3A_65 = arith.constant 0 : index
    %swap3A_66 = vector.load %arg3[%swap3A, %swap3A_65] : memref<2048x1xf32, #tpu.memory_space<vmem>>, vector<2048x1xf32>
    tpu.vector_store %arg3[%swap3A, %swap3A_65], %div3A_64 {strides = array<i32>} : memref<2048x1xf32, #tpu.memory_space<vmem>>, vector<2048x1xf32>,
    %div3A_67 = arith.divf %div3A_59, %add3A_63 : vector<2048x1xf32>
    %swap3A_68 = arith.constant 0 : index
    %swap3A_69 = arith.constant 0 : index
    %swap3A_70 = vector.load %arg4[%swap3A_68, %swap3A_69] : memref<2048x1xf32, #tpu.memory_space<vmem>>, vector<2048x1xf32>
    tpu.vector_store %arg4[%swap3A_68, %swap3A_69], %div3A_67 {strides = array<i32>} : memref<2048x1xf32, #tpu.memory_space<vmem>>, vector<2048x1xf32>,
    %concatenate3A = tpu.concatenate %eq3A_15, %eq3A_36 in 0 : vector<2048x8xi1>, vector<2048x8xi1> -> vector<4096x8xi1>
    %convert_element_type3A = arith.extui %concatenate3A : vector<4096x8xi1> to vector<4096x8xi32>
    %broadcast_in_dim3A_71 = arith.constant 0 : i32
    %broadcast_in_dim3A_72 = vector.broadcast %broadcast_in_dim3A_71 : i32 to vector<1x8xi32>
    %slice3A = vector.extract_strided_slice %convert_element_type3A {offsets = [0, 0], sizes = [4095, 8], strides = [1, 1]} : vector<4096x8xi32> to vector<4095x8xi32>
    %concatenate3A_73 = tpu.concatenate %broadcast_in_dim3A_72, %slice3A in 0 : vector<1x8xi32>, vector<4095x8xi32> -> vector<4096x8xi32>
    %add3A_74 = arith.addi %convert_element_type3A, %concatenate3A_73 : vector<4096x8xi32>
    %broadcast_in_dim3A_75 = arith.constant 0 : i32
    %broadcast_in_dim3A_76 = vector.broadcast %broadcast_in_dim3A_75 : i32 to vector<2x8xi32>
    %slice3A_77 = vector.extract_strided_slice %add3A_74 {offsets = [0, 0], sizes = [4094, 8], strides = [1, 1]} : vector<4096x8xi32> to vector<4094x8xi32>
    %concatenate3A_78 = tpu.concatenate %broadcast_in_dim3A_76, %slice3A_77 in 0 : vector<2x8xi32>, vector<4094x8xi32> -> vector<4096x8xi32>
    %add3A_79 = arith.addi %add3A_74, %concatenate3A_78 : vector<4096x8xi32>
    %broadcast_in_dim3A_80 = arith.constant 0 : i32
    %broadcast_in_dim3A_81 = vector.broadcast %broadcast_in_dim3A_80 : i32 to vector<4x8xi32>
    %slice3A_82 = vector.extract_strided_slice %add3A_79 {offsets = [0, 0], sizes = [4092, 8], strides = [1, 1]} : vector<4096x8xi32> to vector<4092x8xi32>
    %concatenate3A_83 = tpu.concatenate %broadcast_in_dim3A_81, %slice3A_82 in 0 : vector<4x8xi32>, vector<4092x8xi32> -> vector<4096x8xi32>
    %add3A_84 = arith.addi %add3A_79, %concatenate3A_83 : vector<4096x8xi32>
    %broadcast_in_dim3A_85 = arith.constant 0 : i32
    %broadcast_in_dim3A_86 = vector.broadcast %broadcast_in_dim3A_85 : i32 to vector<8x8xi32>
    %slice3A_87 = vector.extract_strided_slice %add3A_84 {offsets = [0, 0], sizes = [4088, 8], strides = [1, 1]} : vector<4096x8xi32> to vector<4088x8xi32>
    %concatenate3A_88 = tpu.concatenate %broadcast_in_dim3A_86, %slice3A_87 in 0 : vector<8x8xi32>, vector<4088x8xi32> -> vector<4096x8xi32>
    %add3A_89 = arith.addi %add3A_84, %concatenate3A_88 : vector<4096x8xi32>
    %broadcast_in_dim3A_90 = arith.constant 0 : i32
    %broadcast_in_dim3A_91 = vector.broadcast %broadcast_in_dim3A_90 : i32 to vector<16x8xi32>
    %slice3A_92 = vector.extract_strided_slice %add3A_89 {offsets = [0, 0], sizes = [4080, 8], strides = [1, 1]} : vector<4096x8xi32> to vector<4080x8xi32>
    %concatenate3A_93 = tpu.concatenate %broadcast_in_dim3A_91, %slice3A_92 in 0 : vector<16x8xi32>, vector<4080x8xi32> -> vector<4096x8xi32>
    %add3A_94 = arith.addi %add3A_89, %concatenate3A_93 : vector<4096x8xi32>
    %broadcast_in_dim3A_95 = arith.constant 0 : i32
    %broadcast_in_dim3A_96 = vector.broadcast %broadcast_in_dim3A_95 : i32 to vector<32x8xi32>
    %slice3A_97 = vector.extract_strided_slice %add3A_94 {offsets = [0, 0], sizes = [4064, 8], strides = [1, 1]} : vector<4096x8xi32> to vector<4064x8xi32>
    %concatenate3A_98 = tpu.concatenate %broadcast_in_dim3A_96, %slice3A_97 in 0 : vector<32x8xi32>, vector<4064x8xi32> -> vector<4096x8xi32>
    %add3A_99 = arith.addi %add3A_94, %concatenate3A_98 : vector<4096x8xi32>
    %broadcast_in_dim3A_100 = arith.constant 0 : i32
    %broadcast_in_dim3A_101 = vector.broadcast %broadcast_in_dim3A_100 : i32 to vector<64x8xi32>
    %slice3A_102 = vector.extract_strided_slice %add3A_99 {offsets = [0, 0], sizes = [4032, 8], strides = [1, 1]} : vector<4096x8xi32> to vector<4032x8xi32>
    %concatenate3A_103 = tpu.concatenate %broadcast_in_dim3A_101, %slice3A_102 in 0 : vector<64x8xi32>, vector<4032x8xi32> -> vector<4096x8xi32>
    %add3A_104 = arith.addi %add3A_99, %concatenate3A_103 : vector<4096x8xi32>
    %broadcast_in_dim3A_105 = arith.constant 0 : i32
    %broadcast_in_dim3A_106 = vector.broadcast %broadcast_in_dim3A_105 : i32 to vector<128x8xi32>
    %slice3A_107 = vector.extract_strided_slice %add3A_104 {offsets = [0, 0], sizes = [3968, 8], strides = [1, 1]} : vector<4096x8xi32> to vector<3968x8xi32>
    %concatenate3A_108 = tpu.concatenate %broadcast_in_dim3A_106, %slice3A_107 in 0 : vector<128x8xi32>, vector<3968x8xi32> -> vector<4096x8xi32>
    %add3A_109 = arith.addi %add3A_104, %concatenate3A_108 : vector<4096x8xi32>
    %broadcast_in_dim3A_110 = arith.constant 0 : i32
    %broadcast_in_dim3A_111 = vector.broadcast %broadcast_in_dim3A_110 : i32 to vector<256x8xi32>
    %slice3A_112 = vector.extract_strided_slice %add3A_109 {offsets = [0, 0], sizes = [3840, 8], strides = [1, 1]} : vector<4096x8xi32> to vector<3840x8xi32>
    %concatenate3A_113 = tpu.concatenate %broadcast_in_dim3A_111, %slice3A_112 in 0 : vector<256x8xi32>, vector<3840x8xi32> -> vector<4096x8xi32>
    %add3A_114 = arith.addi %add3A_109, %concatenate3A_113 : vector<4096x8xi32>
    %broadcast_in_dim3A_115 = arith.constant 0 : i32
    %broadcast_in_dim3A_116 = vector.broadcast %broadcast_in_dim3A_115 : i32 to vector<512x8xi32>
    %slice3A_117 = vector.extract_strided_slice %add3A_114 {offsets = [0, 0], sizes = [3584, 8], strides = [1, 1]} : vector<4096x8xi32> to vector<3584x8xi32>
    %concatenate3A_118 = tpu.concatenate %broadcast_in_dim3A_116, %slice3A_117 in 0 : vector<512x8xi32>, vector<3584x8xi32> -> vector<4096x8xi32>
    %add3A_119 = arith.addi %add3A_114, %concatenate3A_118 : vector<4096x8xi32>
    %broadcast_in_dim3A_120 = arith.constant 0 : i32
    %broadcast_in_dim3A_121 = vector.broadcast %broadcast_in_dim3A_120 : i32 to vector<1024x8xi32>
    %slice3A_122 = vector.extract_strided_slice %add3A_119 {offsets = [0, 0], sizes = [3072, 8], strides = [1, 1]} : vector<4096x8xi32> to vector<3072x8xi32>
    %concatenate3A_123 = tpu.concatenate %broadcast_in_dim3A_121, %slice3A_122 in 0 : vector<1024x8xi32>, vector<3072x8xi32> -> vector<4096x8xi32>
    %add3A_124 = arith.addi %add3A_119, %concatenate3A_123 : vector<4096x8xi32>
    %broadcast_in_dim3A_125 = arith.constant 0 : i32
    %broadcast_in_dim3A_126 = vector.broadcast %broadcast_in_dim3A_125 : i32 to vector<2048x8xi32>
    %slice3A_127 = vector.extract_strided_slice %add3A_124 {offsets = [0, 0], sizes = [2048, 8], strides = [1, 1]} : vector<4096x8xi32> to vector<2048x8xi32>
    %concatenate3A_128 = tpu.concatenate %broadcast_in_dim3A_126, %slice3A_127 in 0 : vector<2048x8xi32>, vector<2048x8xi32> -> vector<4096x8xi32>
    %add3A_129 = arith.addi %add3A_124, %concatenate3A_128 : vector<4096x8xi32>
    %slice3A_130 = vector.extract_strided_slice %add3A_129 {offsets = [4095, 0], sizes = [1, 8], strides = [1, 1]} : vector<4096x8xi32> to vector<1x8xi32>
    %add3A_131 = arith.constant 255 : i32
    %add3A_132 = vector.broadcast %add3A_131 : i32 to vector<1x8xi32>
    %add3A_133 = arith.addi %slice3A_130, %add3A_132 : vector<1x8xi32>
    %jit3A_134 = arith.constant 256 : i32
    %div3A_135 = vector.broadcast %jit3A_134 : i32 to vector<1x8xi32>
    %div3A_136 = arith.divsi %add3A_133, %div3A_135 : vector<1x8xi32>
    %sign3A = arith.constant 0 : i32
    %sign3A_137 = vector.broadcast %sign3A : i32 to vector<1x8xi32>
    %sign3A_138 = arith.cmpi sgt, %add3A_133, %sign3A_137 : vector<1x8xi32>
    %sign3A_139 = arith.extui %sign3A_138 : vector<1x8xi1> to vector<1x8xi32>
    %sign3A_140 = arith.constant 0 : i32
    %sign3A_141 = vector.broadcast %sign3A_140 : i32 to vector<1x8xi32>
    %sign3A_142 = arith.cmpi slt, %add3A_133, %sign3A_141 : vector<1x8xi32>
    %sign3A_143 = arith.extui %sign3A_142 : vector<1x8xi1> to vector<1x8xi32>
    %sign3A_144 = arith.subi %sign3A_139, %sign3A_143 : vector<1x8xi32>
    %sign3A_145 = arith.constant 0 : i32
    %sign3A_146 = arith.cmpi sgt, %jit3A_134, %sign3A_145 : i32
    %sign3A_147 = arith.extui %sign3A_146 : i1 to i32
    %sign3A_148 = arith.constant 0 : i32
    %sign3A_149 = arith.cmpi slt, %jit3A_134, %sign3A_148 : i32
    %sign3A_150 = arith.extui %sign3A_149 : i1 to i32
    %sign3A_151 = arith.subi %sign3A_147, %sign3A_150 : i32
    %ne3A = vector.broadcast %sign3A_151 : i32 to vector<1x8xi32>
    %ne3A_152 = arith.cmpi ne, %sign3A_144, %ne3A : vector<1x8xi32>
    %rem3A = vector.broadcast %jit3A_134 : i32 to vector<1x8xi32>
    %rem3A_153 = arith.remsi %add3A_133, %rem3A : vector<1x8xi32>
    %ne3A_154 = arith.constant 0 : i32
    %ne3A_155 = vector.broadcast %ne3A_154 : i32 to vector<1x8xi32>
    %ne3A_156 = arith.cmpi ne, %rem3A_153, %ne3A_155 : vector<1x8xi32>
    %and3A = arith.andi %ne3A_152, %ne3A_156 : vector<1x8xi1>
    %sub3A = arith.constant 1 : i32
    %sub3A_157 = vector.broadcast %sub3A : i32 to vector<1x8xi32>
    %sub3A_158 = arith.subi %div3A_136, %sub3A_157 : vector<1x8xi32>
    %select_n3A_159 = arith.select %and3A, %sub3A_158, %div3A_136 : vector<1x8xi1>, vector<1x8xi32>
    %iota3A_160 = tpu.iota {dimensions = array<i32: 0>} : vector<8x8xi32>
    %iota3A_161 = tpu.iota {dimensions = array<i32: 1>} : vector<8x8xi32>
    %le3A = arith.cmpi sle, %iota3A_160, %iota3A_161 : vector<8x8xi32>
    %convert_element_type3A_162 = arith.extui %le3A : vector<8x8xi1> to vector<8x8xi32>
    %convert_element_type3A_163 = arith.sitofp %convert_element_type3A_162 : vector<8x8xi32> to vector<8x8xf32>
    %convert_element_type3A_164 = arith.sitofp %select_n3A_159 : vector<1x8xi32> to vector<1x8xf32>
    %dot_general3A_165 = arith.constant dense<0.000000e+00> : vector<1x8xf32>
    %dot_general3A_166 = tpu.matmul %convert_element_type3A_164, %convert_element_type3A_163, %dot_general3A_165 {dimension_numbers = #tpu.dot_dimension_numbers<[1], [0], [0], [1], [0, 0, 1, 1], [], []>, transpose_lhs_hint = false} : vector<1x8xf32>, vector<8x8xf32>, vector<1x8xf32> -> vector<1x8xf32>
    %convert_element_type3A_167 = arith.fptosi %dot_general3A_166 : vector<1x8xf32> to vector<1x8xi32>
    %sub3A_168 = arith.subi %convert_element_type3A_167, %select_n3A_159 : vector<1x8xi32>
    %mul3A = arith.constant 256 : i32
    %mul3A_169 = vector.broadcast %mul3A : i32 to vector<1x8xi32>
    %mul3A_170 = arith.muli %sub3A_168, %mul3A_169 : vector<1x8xi32>
    %mul3A_171 = arith.muli %add3A_129, %convert_element_type3A : vector<4096x8xi32>
    %reduce_sum3A_172 = arith.constant dense<0> : vector<4096xi32>
    %reduce_sum3A_173 = vector.multi_reduction <add>, %mul3A_171, %reduce_sum3A_172 [1] : vector<4096x8xi32> to vector<4096xi32>
    %broadcast_in_dim3A_174 = vector.shape_cast %reduce_sum3A_173 : vector<4096xi32> to vector<4096x1xi32>
    %sub3A_175 = arith.constant 1 : i32
    %sub3A_176 = vector.broadcast %sub3A_175 : i32 to vector<4096x1xi32>
    %sub3A_177 = arith.subi %broadcast_in_dim3A_174, %sub3A_176 : vector<4096x1xi32>
    %mul3A_178 = vector.broadcast %mul3A_170 : vector<1x8xi32> to vector<4096x8xi32>
    %mul3A_179 = arith.muli %convert_element_type3A, %mul3A_178 : vector<4096x8xi32>
    %reduce_sum3A_180 = arith.constant dense<0> : vector<4096xi32>
    %reduce_sum3A_181 = vector.multi_reduction <add>, %mul3A_179, %reduce_sum3A_180 [1] : vector<4096x8xi32> to vector<4096xi32>
    %broadcast_in_dim3A_182 = vector.shape_cast %reduce_sum3A_181 : vector<4096xi32> to vector<4096x1xi32>
    %add3A_183 = arith.addi %sub3A_177, %broadcast_in_dim3A_182 : vector<4096x1xi32>
    %swap3A_184 = arith.constant 0 : index
    %swap3A_185 = arith.constant 0 : index
    %swap3A_186 = vector.load %arg5[%swap3A_184, %swap3A_185] : memref<4096x1xi32, #tpu.memory_space<vmem>>, vector<4096x1xi32>
    tpu.vector_store %arg5[%swap3A_184, %swap3A_185], %add3A_183 {strides = array<i32>} : memref<4096x1xi32, #tpu.memory_space<vmem>>, vector<4096x1xi32>,
    %iota3A_187 = tpu.iota {dimensions = array<i32: 0>} : vector<23x8xi32>
    %iota3A_188 = tpu.iota {dimensions = array<i32: 1>} : vector<23x8xi32>
    %ge3A_189 = vector.broadcast %convert_element_type3A_167 : vector<1x8xi32> to vector<23x8xi32>
    %ge3A_190 = arith.cmpi sge, %iota3A_187, %ge3A_189 : vector<23x8xi32>
    %convert_element_type3A_191 = arith.extui %ge3A_190 : vector<23x8xi1> to vector<23x8xi32>
    %reduce_sum3A_192 = arith.constant dense<0> : vector<23xi32>
    %reduce_sum3A_193 = vector.multi_reduction <add>, %convert_element_type3A_191, %reduce_sum3A_192 [1] : vector<23x8xi32> to vector<23xi32>
    %broadcast_in_dim3A_194 = vector.shape_cast %reduce_sum3A_193 : vector<23xi32> to vector<23x1xi32>
    %min3A = arith.constant 7 : i32
    %min3A_195 = vector.broadcast %min3A : i32 to vector<23x1xi32>
    %min3A_196 = arith.minsi %broadcast_in_dim3A_194, %min3A_195 : vector<23x1xi32>
    %eq3A_197 = vector.broadcast %min3A_196 : vector<23x1xi32> to vector<23x8xi32>
    %eq3A_198 = arith.cmpi eq, %iota3A_188, %eq3A_197 : vector<23x8xi32>
    %gt3A = arith.constant 0 : i32
    %gt3A_199 = vector.broadcast %gt3A : i32 to vector<1x8xi32>
    %gt3A_200 = arith.cmpi sgt, %slice3A_130, %gt3A_199 : vector<1x8xi32>
    %sub3A_201 = arith.subi %convert_element_type3A_167, %select_n3A_159 : vector<1x8xi32>
    %eq3A_202 = vector.broadcast %sub3A_201 : vector<1x8xi32> to vector<23x8xi32>
    %eq3A_203 = arith.cmpi eq, %iota3A_187, %eq3A_202 : vector<23x8xi32>
    %and3A_204 = arith.andi %eq3A_198, %eq3A_203 : vector<23x8xi1>
    %convert_element_type3A_205 = arith.extui %and3A_204 : vector<23x8xi1> to vector<23x8xi32>
    %reduce_sum3A_206 = arith.constant dense<0> : vector<23xi32>
    %reduce_sum3A_207 = vector.multi_reduction <add>, %convert_element_type3A_205, %reduce_sum3A_206 [1] : vector<23x8xi32> to vector<23xi32>
    %broadcast_in_dim3A_208 = vector.shape_cast %reduce_sum3A_207 : vector<23xi32> to vector<23x1xi32>
    %le3A_209 = vector.broadcast %min3A_196 : vector<23x1xi32> to vector<23x8xi32>
    %le3A_210 = arith.cmpi sle, %iota3A_188, %le3A_209 : vector<23x8xi32>
    %and3A_211 = vector.broadcast %gt3A_200 : vector<1x8xi1> to vector<23x8xi1>
    %and3A_212 = arith.andi %le3A_210, %and3A_211 : vector<23x8xi1>
    %convert_element_type3A_213 = arith.extui %and3A_212 : vector<23x8xi1> to vector<23x8xi32>
    %reduce_sum3A_214 = arith.constant dense<0> : vector<23xi32>
    %reduce_sum3A_215 = vector.multi_reduction <add>, %convert_element_type3A_213, %reduce_sum3A_214 [1] : vector<23x8xi32> to vector<23xi32>
    %broadcast_in_dim3A_216 = vector.shape_cast %reduce_sum3A_215 : vector<23xi32> to vector<23x1xi32>
    %sub3A_217 = arith.constant 1 : i32
    %sub3A_218 = vector.broadcast %sub3A_217 : i32 to vector<23x1xi32>
    %sub3A_219 = arith.subi %broadcast_in_dim3A_216, %sub3A_218 : vector<23x1xi32>
    %and3A_220 = arith.constant 1 : i32
    %and3A_221 = vector.broadcast %and3A_220 : i32 to vector<23x1xi32>
    %and3A_222 = arith.andi %sub3A_219, %and3A_221 : vector<23x1xi32>
    %gt3A_223 = vector.broadcast %min3A_196 : vector<23x1xi32> to vector<23x8xi32>
    %gt3A_224 = arith.cmpi sgt, %iota3A_188, %gt3A_223 : vector<23x8xi32>
    %and3A_225 = vector.broadcast %gt3A_200 : vector<1x8xi1> to vector<23x8xi1>
    %and3A_226 = arith.andi %gt3A_224, %and3A_225 : vector<23x8xi1>
    %jit3A_227 = arith.constant 8 : i32
    %broadcast_in_dim3A_228 = vector.broadcast %jit3A_227 : i32 to vector<23x8xi32>
    %select_n3A_229 = arith.select %and3A_226, %iota3A_188, %broadcast_in_dim3A_228 : vector<23x8xi1>, vector<23x8xi32>
    %reduce_min3A_230 = arith.constant dense<2147483647> : vector<23xi32>
    %reduce_min3A_231 = vector.multi_reduction <minsi>, %select_n3A_229, %reduce_min3A_230 [1] : vector<23x8xi32> to vector<23xi32>
    %broadcast_in_dim3A_232 = vector.shape_cast %reduce_min3A_231 : vector<23xi32> to vector<23x1xi32>
    %lt3A = arith.constant 8 : i32
    %lt3A_233 = vector.broadcast %lt3A : i32 to vector<23x1xi32>
    %lt3A_234 = arith.cmpi slt, %broadcast_in_dim3A_232, %lt3A_233 : vector<23x1xi32>
    %convert_element_type3A_235 = arith.extui %lt3A_234 : vector<23x1xi1> to vector<23x1xi32>
    %broadcast_in_dim3A_236 = arith.constant 0 : i32
    %broadcast_in_dim3A_237 = vector.broadcast %broadcast_in_dim3A_236 : i32 to vector<23x1xi32>
    %min3A_238 = arith.constant 7 : i32
    %min3A_239 = vector.broadcast %min3A_238 : i32 to vector<23x1xi32>
    %min3A_240 = arith.minsi %broadcast_in_dim3A_232, %min3A_239 : vector<23x1xi32>
    %concatenate3A_241 = tpu.concatenate %min3A_196, %broadcast_in_dim3A_208, %and3A_222, %min3A_240, %convert_element_type3A_235, %broadcast_in_dim3A_237, %broadcast_in_dim3A_237, %broadcast_in_dim3A_237 in 1 : vector<23x1xi32>, vector<23x1xi32>, vector<23x1xi32>, vector<23x1xi32>, vector<23x1xi32>, vector<23x1xi32>, vector<23x1xi32>, vector<23x1xi32> -> vector<23x8xi32>
    %swap3A_242 = arith.constant 0 : index
    %swap3A_243 = arith.constant 0 : index
    %swap3A_244 = vector.load %arg6[%swap3A_242, %swap3A_243] : memref<23x8xi32, #tpu.memory_space<vmem>>, vector<23x8xi32>
    tpu.vector_store %arg6[%swap3A_242, %swap3A_243], %concatenate3A_241 {strides = array<i32>} : memref<23x8xi32, #tpu.memory_space<vmem>>, vector<23x8xi32>,
    %slice3A_245 = vector.extract_strided_slice %convert_element_type3A_167 {offsets = [0, 7], sizes = [1, 1], strides = [1, 1]} : vector<1x8xi32> to vector<1x1xi32>
    %swap3A_246 = arith.constant 0 : index
    %swap3A_247 = arith.constant 0 : index
    %swap3A_248 = vector.load %arg7[%swap3A_246, %swap3A_247] : memref<1x1xi32, #tpu.memory_space<vmem>>, vector<1x1xi32>
    tpu.vector_store %arg7[%swap3A_246, %swap3A_247], %slice3A_245 {strides = array<i32>} : memref<1x1xi32, #tpu.memory_space<vmem>>, vector<1x1xi32>,
    return
  }
}

module attributes {stable_mosaic.version = 14 : i64} {
  func.func @_combine_body(%arg0: i32, %arg1: memref<256x1024xbf16, #tpu.memory_space<vmem>>, %arg2: memref<256x1024xf32, #tpu.memory_space<vmem>>, %arg3: memref<256x1024xf32, #tpu.memory_space<vmem>>, %arg4: memref<256x1xf32, #tpu.memory_space<vmem>>, %arg5: memref<256x1xf32, #tpu.memory_space<vmem>>, %arg6: memref<256x1024xf32, #tpu.memory_space<vmem>>) attributes {dimension_semantics = [#tpu.dimension_semantics<arbitrary>], iteration_bounds = array<i64: 8>, scalar_prefetch = 0 : i64, scratch_operands = 0 : i64, tpu.core_type = #tpu.core_type<tc>, window_params = [{transform_indices = @transform_0, window_bounds = array<i64: 256, 1024>}, {transform_indices = @transform_1, window_bounds = array<i64: 256, 1024>}, {transform_indices = @transform_2, window_bounds = array<i64: 256, 1024>}, {transform_indices = @transform_3, window_bounds = array<i64: 256, 1>}, {transform_indices = @transform_4, window_bounds = array<i64: 256, 1>}, {transform_indices = @transform_5, window_bounds = array<i64: 256, 1024>}]} {
    %get3A = arith.constant 0 : index
    %get3A_0 = arith.constant 0 : index
    %get3A_1 = vector.load %arg1[%get3A, %get3A_0] : memref<256x1024xbf16, #tpu.memory_space<vmem>>, vector<256x1024xbf16>
    %convert_element_type3A = arith.extf %get3A_1 : vector<256x1024xbf16> to vector<256x1024xf32>
    %get3A_2 = arith.constant 0 : index
    %get3A_3 = arith.constant 0 : index
    %get3A_4 = vector.load %arg4[%get3A_2, %get3A_3] : memref<256x1xf32, #tpu.memory_space<vmem>>, vector<256x1xf32>
    %get3A_5 = arith.constant 0 : index
    %get3A_6 = arith.constant 0 : index
    %get3A_7 = vector.load %arg2[%get3A_5, %get3A_6] : memref<256x1024xf32, #tpu.memory_space<vmem>>, vector<256x1024xf32>
    %mul3A = vector.broadcast %get3A_4 : vector<256x1xf32> to vector<256x1024xf32>
    %mul3A_8 = arith.mulf %mul3A, %get3A_7 : vector<256x1024xf32>
    %add3A = arith.addf %convert_element_type3A, %mul3A_8 : vector<256x1024xf32>
    %get3A_9 = arith.constant 0 : index
    %get3A_10 = arith.constant 0 : index
    %get3A_11 = vector.load %arg5[%get3A_9, %get3A_10] : memref<256x1xf32, #tpu.memory_space<vmem>>, vector<256x1xf32>
    %get3A_12 = arith.constant 0 : index
    %get3A_13 = arith.constant 0 : index
    %get3A_14 = vector.load %arg3[%get3A_12, %get3A_13] : memref<256x1024xf32, #tpu.memory_space<vmem>>, vector<256x1024xf32>
    %mul3A_15 = vector.broadcast %get3A_11 : vector<256x1xf32> to vector<256x1024xf32>
    %mul3A_16 = arith.mulf %mul3A_15, %get3A_14 : vector<256x1024xf32>
    %add3A_17 = arith.addf %add3A, %mul3A_16 : vector<256x1024xf32>
    %swap3A = arith.constant 0 : index
    %swap3A_18 = arith.constant 0 : index
    %swap3A_19 = vector.load %arg6[%swap3A, %swap3A_18] : memref<256x1024xf32, #tpu.memory_space<vmem>>, vector<256x1024xf32>
    tpu.vector_store %arg6[%swap3A, %swap3A_18], %add3A_17 {strides = array<i32>} : memref<256x1024xf32, #tpu.memory_space<vmem>>, vector<256x1024xf32>,
    return
  }
  func.func @transform_0(%arg0: i32) -> (i32, i32) {
    %c0_i32 = arith.constant 0 : i32
    %c0_i32_0 = arith.constant 0 : i32
    return %arg0, %c0_i32 : i32, i32
  }
  func.func @transform_1(%arg0: i32) -> (i32, i32) {
    %c0_i32 = arith.constant 0 : i32
    %c0_i32_0 = arith.constant 0 : i32
    return %arg0, %c0_i32 : i32, i32
  }
  func.func @transform_2(%arg0: i32) -> (i32, i32) {
    %add3A = arith.constant 8 : i32
    %add3A_0 = arith.addi %arg0, %add3A : i32
    %c0_i32 = arith.constant 0 : i32
    %c0_i32_1 = arith.constant 0 : i32
    return %add3A_0, %c0_i32 : i32, i32
  }
  func.func @transform_3(%arg0: i32) -> (i32, i32) {
    %c0_i32 = arith.constant 0 : i32
    %c0_i32_0 = arith.constant 0 : i32
    return %arg0, %c0_i32 : i32, i32
  }
  func.func @transform_4(%arg0: i32) -> (i32, i32) {
    %c0_i32 = arith.constant 0 : i32
    %c0_i32_0 = arith.constant 0 : i32
    return %arg0, %c0_i32 : i32, i32
  }
  func.func @transform_5(%arg0: i32) -> (i32, i32) {
    %c0_i32 = arith.constant 0 : i32
    %c0_i32_0 = arith.constant 0 : i32
    return %arg0, %c0_i32 : i32, i32
  }
}

</mosaic_0001>

<sc_bundles>
// kernel: kernel.11.cloned.1.call-start
scs
__scs_entry_jumppad:
0x0: {  	(pc) =	sbr.rel $0x88, $3  }
0x1: {  	(tag) =	ssettag $0x0;
	lr =	simm.s32 $0x1  }
0x2: {  	[smem:$0x3F9A] =	sst lr;
	_ =	strace $0xD0000000  }
0x3: {  	_ = 	snop  }
0x4: {  	_ = 	snop  }
0x5: {  	_ = 	snop  }
0x6: {  	_ = 	snop  }
0x7: {  	_ = 	snop  }
__scs_overlays_trampoline_lowered:
0x8: {  	[smem:$0x3FA9] =	sst s0  }
0x9: {  	[smem:$0x3FAA] =	sst s1  }
0xa: {  	[smem:$0x3FAB] =	sst s2  }
0xb: {  	[smem:$0x3FAC] =	sst s3  }
0xc: {  	[smem:$0x3FAD] =	sst s4  }
0xd: {  	[smem:$0x3FAE] =	sst s5  }
0xe: {  	[smem:$0x3FAF] =	sst s6  }
0xf: {  	[smem:$0x3FB0] =	sst s7  }
0x10: {  	[smem:$0x3FB1] =	sst s8  }
0x11: {  	[smem:$0x3FB2] =	sst s9;
	s0 =	simm.s32 @!p0 $0x0  }
0x12: {  	s1 =	sld [smem:$0x3F98];
	s0 =	simm.s32 @p0 $0x1  }
0x13: {  	[smem:$0x3FB3] =	sst s0;
	s0 =	simm.s32 @!p1 $0x0  }
0x14: {  	s2 =	sld [smem:$0x3F97];
	s0 =	simm.s32 @p1 $0x1  }
0x15: {  	[smem:$0x3FB4] =	sst s0;
	s0 =	simm.s32 @!p2 $0x0  }
0x16: {  	s3 =	sld [smem:$0x3FDB];
	s0 =	simm.s32 @p2 $0x1  }
0x17: {  	s4 =	simm.s32 $0x1BF5;
	[smem:$0x3FB6] =	sst s0  }
0x18: {  	s0 =	sld [smem:$0x3F99];
	_ =	swait.ge [sflag:s4], $0x0  }
0x19: {  	s7 =	sld [smem:$0x3F9A]  }
0x1a: {  	s8 =	sadd.s32 $0xFFFFE003, lr  }
0x1b: {  	s9 =	sadd.s32 $0xFFFFFEF7, lr;
	s5 =	simm.s32 $0xFFFFFFFF;
	p2 =	slt.u32 s8, $0xFFFFF086  }
0x1c: {  	p1 =	slt.u32 s9, $0xF7A;
	s5 =	simm.s32 @!p2 $0x0  }
0x1d: {  	s5 =	simm.s32 @p1 $0x1;
	p0 =	seq.s32 s7, s2  }
0x1e: {  	s7 =	smul.u32 @!p0 $0xF7A, s2;
	p2 =	seq.s32 @!p0 s5, $0x0  }
0x1f: {  	s9 =	smul.u32 $0xF7A, s1;
	s8 =	simm.s32 @!p0 $0x1BF5;
	p2 =	por !p2, p0  }
0x20: {  	[sflag:s8] =	ssyncset.s32 @!p0 $0xFFFFF086;
	s6 =	sadd.s32 @!p0 s3, s7;
	s7 =	simm.s32 @!p0 $0x108  }
0x21: {  	s3 =	sadd.s32 s3, s9;
	s6 =	sadd.s32 @!p0 $0x88, s6;
	s7 =	simm.s32 @p2 $0x1082  }
0x22: {  	[simem:s7], [sflag:s8] =	dma.local @!p0 [hbm:s6], $0xF7A  }
0x23: {  	s9 =	sor.u32 $0xD0000000, s2;
	s6 =	simm.s32 $0x108;
	_ =	swait.ge @!p0 [sflag:s8], $0x0  }
0x24: {  	s3 =	sadd.s32 $0x88, s3;
	s6 =	simm.s32 @!p1 $0x1082;
	[sflag:s4] =	ssyncset.s32 $0xFFFFF086  }
0x25: {  	[simem:s6], [sflag:s4] =	dma.local [hbm:s3], $0xF7A  }
0x26: {  	[smem:$0x3F9A] =	sst s1;
	(tag) =	ssettag s2;
	_ =	strace s9  }
0x27: {  	s1 =	sld [smem:$0x3FAA]  }
0x28: {  	s2 =	sld [smem:$0x3FAB]  }
0x29: {  	s4 =	sld [smem:$0x3FAD]  }
0x2a: {  	p0 =	seq.s32 s5, $0x0;
	s5 =	sld [smem:$0x3FAE]  }
0x2b: {  	s6 =	sld [smem:$0x3FAF]  }
0x2c: {  	s7 =	sld [smem:$0x3FB0]  }
0x2d: {  	s3 =	simm.s32 $0x108;
	s8 =	sld [smem:$0x3FB1]  }
0x2e: {  	s3 =	simm.s32 @!p0 $0x1082;
	s9 =	sld [smem:$0x3FB2]  }
0x2f: {  	lr =	sadd.s32 s0, s3;
	s0 =	sld [smem:$0x3FA9]  }
0x30: {  	s3 =	sld [smem:$0x3FAC]  }
0x31: {  	[smem:$0x3FB5] =	sst s10  }
0x32: {  	s10 =	sld [smem:$0x3FB3];
	_ =	sdelay $0x3  }
0x33: {  	p0 =	seq.s32 s10, $0x1;
	s10 =	sld [smem:$0x3FB5];
	_ =	sdelay $0x3  }
0x34: {  	[smem:$0x3FB5] =	sst s10  }
0x35: {  	s10 =	sld [smem:$0x3FB4];
	_ =	sdelay $0x3  }
0x36: {  	p1 =	seq.s32 s10, $0x1;
	s10 =	sld [smem:$0x3FB5];
	_ =	sdelay $0x3  }
0x37: {  	[smem:$0x3FB5] =	sst s10  }
0x38: {  	s10 =	sld [smem:$0x3FB6]  }
0x39: {  	_ = 	snop;
	(pc) =	sbr.ind lr, $3  }
0x3a: {  	_ = 	snop  }
0x3b: {  	_ = 	snop  }
0x3c: {  	p2 =	seq.s32 s10, $0x1;
	s10 =	sld [smem:$0x3FB5]  }
0x3d: {  	_ =	shalt  }
0x3e: {  	_ =	shalt  }
0x3f: {  	_ =	shalt  }
0x40: {  	_ =	shalt  }
0x41: {  	_ =	shalt  }
0x42: {  	_ =	shalt  }
0x43: {  	_ =	shalt  }
0x44: {  	_ =	shalt  }
0x45: {  	_ =	shalt  }
0x46: {  	_ =	shalt  }
0x47: {  	_ =	shalt  }
0x48: {  	_ =	shalt  }
0x49: {  	_ =	shalt  }
0x4a: {  	_ =	shalt  }
0x4b: {  	_ =	shalt  }
0x4c: {  	_ =	shalt  }
0x4d: {  	_ =	shalt  }
0x4e: {  	_ =	shalt  }
0x4f: {  	_ =	shalt  }
0x50: {  	_ =	shalt  }
0x51: {  	_ =	shalt  }
0x52: {  	_ =	shalt  }
0x53: {  	_ =	shalt  }
0x54: {  	_ =	shalt  }
0x55: {  	_ =	shalt  }
0x56: {  	_ =	shalt  }
0x57: {  	_ =	shalt  }
0x58: {  	_ =	shalt  }
0x59: {  	_ =	shalt  }
0x5a: {  	_ =	shalt  }
0x5b: {  	_ =	shalt  }
0x5c: {  	_ =	shalt  }
0x5d: {  	_ =	shalt  }
0x5e: {  	_ =	shalt  }
0x5f: {  	_ =	shalt  }
0x60: {  	_ =	shalt  }
0x61: {  	_ =	shalt  }
0x62: {  	_ =	shalt  }
0x63: {  	_ =	shalt  }
0x64: {  	_ =	shalt  }
0x65: {  	_ =	shalt  }
0x66: {  	_ =	shalt  }
0x67: {  	_ =	shalt  }
0x68: {  	_ =	shalt  }
0x69: {  	_ =	shalt  }
0x6a: {  	_ =	shalt  }
0x6b: {  	_ =	shalt  }
0x6c: {  	_ =	shalt  }
0x6d: {  	_ =	shalt  }
0x6e: {  	_ =	shalt  }
0x6f: {  	_ =	shalt  }
0x70: {  	_ =	shalt  }
0x71: {  	_ =	shalt  }
0x72: {  	_ =	shalt  }
0x73: {  	_ =	shalt  }
0x74: {  	_ =	shalt  }
0x75: {  	_ =	shalt  }
0x76: {  	_ =	shalt  }
0x77: {  	_ =	shalt  }
0x78: {  	_ =	shalt  }
0x79: {  	_ =	shalt  }
0x7a: {  	_ =	shalt  }
0x7b: {  	_ =	shalt  }
0x7c: {  	_ =	shalt  }
0x7d: {  	_ =	shalt  }
0x7e: {  	_ =	shalt  }
0x7f: {  	_ =	shalt  }
0x80: {  	_ =	shalt  }
0x81: {  	_ =	shalt  }
0x82: {  	_ =	shalt  }
0x83: {  	_ =	shalt  }
0x84: {  	_ =	shalt  }
0x85: {  	_ =	shalt  }
0x86: {  	_ =	shalt  }
0x87: {  	_ =	shalt  }
.Lfunc_end0:
.L_simem_size_0:
called_computation.1_lowered:
.L_overlay_start_0:
0x88: {  	s2 =	sld [smem:$0x3FD9]  }
0x89: {  	s3 =	sld [smem:$0x3FFE];
	_ =	sdelay $0x1  }
0x8a: {  	s1 =	srdreg.scid  }
0x8b: {  	s0 =	sand.u32 $0x1, s1  }
0x8c: {  	s17 =	sshll.u32 s0, $0xA;
	s2 =	sadd.s32 s3, s2  }
0x8d: {  	s2 =	sadd.s32 s2, s17  }
0x8e: {  	[smem:$0x3FC1] =	sst s2  }
0x8f: {  	_ = 	snop  }
0x90: {  	s2 =	sld [smem:$0x3FD0];
	(tm) =	ssettm $0x1  }
0x91: {  	s18 =	sld [smem:$0x3FFB];
	_ =	sdelay $0x3  }
0x92: {  	_ =	strace s18  }
0x93: {  	s3 =	sld [smem:$0x3FFC];
	_ =	sdelay $0x3  }
0x94: {  	_ =	strace s3  }
0x95: {  	s3 =	sld [smem:$0x3FFD];
	_ =	sdelay $0x3  }
0x96: {  	_ =	strace s3  }
0x97: {  	_ =	strace $0x8FFFFFFF  }
0x98: {  	s19 =	sld [smem:$0x3FDB];
	_ =	sdelay $0x1  }
0x99: {  	s4 =	simm.s32 $_scs_section_size  }
0x9a: {  	s5 =	simm.s32 $_size__tile_overlayer_lowered;
	s6 =	simm.s32 $_tile_overlayer_lowered  }
0x9b: {  	s22 =	simm.s32 $0x1BFF;
	s21 =	sshll.u32 s6, $0x1;
	s3 =	sadd.s32 s4, s19  }
0x9c: {  	s7 =	simm.s32 $0x0;
	s20 =	sshll.u32 s5, $0x1;
	s5 =	sadd.s32 s21, s3  }
0x9d: {  	[timem:s7], [sflag:s22] =	dma.local [hbm:s5], s20  }
0x9e: {  	_ =	swait.ge [sflag:s22], s20  }
0x9f: {  	s4 =	ssub.s32 $0x0, s20;
	[sflag:s22] =	ssyncset.done $0x0  }
0xa0: {  	[sflag:s22] =	ssyncadd.s32 s4;
	_ =	sdelay $0x1  }
0xa1: {  	s23 =	simm.s32 $0x1B8B  }
0xa2: {  	_ =	swait.ge [sflag:s23], $0x1  }
0xa3: {  	[sflag:s23] =	ssyncset.done $0x0  }
0xa4: {  	s25 =	simm.s32 $0x1B8E;
	s24 =	sld [smem:$0x3FFE];
	[sflag:s23] =	ssyncadd.s32 $0xFFFFFFFF  }
0xa5: {  	s26 =	simm.s32 $execute0_lowered;
	[smem:$0x3FD2] =	sst s25  }
0xa6: {  	s5 =	sshll.u32 s26, $0x1;
	_ =	strace $0x80000049;
	[dreg:$0x1] =	wrdreg $0xFFFFFFFF  }
0xa7: {  	s28 =	simm.s32 $_size_execute0_lowered;
	s3 =	sadd.s32 s3, s5;
	[dreg:$0x0] =	wrdreg $0x0  }
0xa8: {  	s5 =	sshll.u32 s28, $0x1;
	[dreg:$0x2] =	wrdreg s3  }
0xa9: {  	[dreg:$0x3] =	wrdreg s5  }
0xaa: {  	[dreg:$0x4] =	wrdreg $0xC0  }
0xab: {  	_ =	task [dreg:s7], $0x5FFFF  }
0xac: {  	[dreg:$0x1] =	wrdreg $0xFFFFFFFF  }
0xad: {  	[dreg:$0x0] =	wrdreg $0x60  }
0xae: {  	[dreg:$0x2] =	wrdreg s24  }
0xaf: {  	[dreg:$0x3] =	wrdreg s2  }
0xb0: {  	[dreg:$0x4] =	wrdreg $0x9  }
0xb1: {  	_ =	task.clear_ibuf [dreg:s7], $0x5FFFF;
	_ =	strace $0x90000049  }
0xb2: {  	s29 =	simm.s32 $0x9;
	_ =	strace $0x8000004B  }
0xb3: {  	_ =	swait.ge [sflag:s29], $0x1  }
0xb4: {  	[sflag:s29] =	ssyncadd.s32 $0xFFFFFFFF  }
0xb5: {  	_ =	strace $0x9000004B  }
0xb6: {  	_ =	sfence  }
0xb7: {  	s30 =	sld [smem:$0x0];
	_ =	sdelay $0x2  }
0xb8: {  	s31 =	sshll.u32 s1, $0xD;
	s1 =	sshrl.u32 s1, $0x2  }
0xb9: {  	s3 =	sand.u32 $0x4000, s31;
	s1 =	sadd.s32 s1, s30  }
0xba: {  	s0 =	sor.u32 s3, s0;
	s1 =	sshll.u32 s1, $0x11  }
0xbb: {  	s0 =	sor.u32 s1, s0  }
0xbc: {  	s0 =	sadd.s32 $0x8F2B, s0  }
0xbd: {  	[sflag:s0] =	ssyncadd.remote.s32 $0x1  }
0xbe: {  	_ =	sfence.sel $0xFFFF  }
0xbf: {  	[dreg:$0x0] =	wrdreg $0xFFFFFFFF;
	(pc) =	sbr.abs _section_cstart, $3  }
0xc0: {  	[dreg:$0x1] =	wrdreg $0xFFFFFFFF  }
0xc1: {  	_ =	task.clear_ibuf [dreg:s7], $0x2FFFF;
	_ =	strace $0x9FFFFFFF  }
0xc2: {  	(tm) =	ssettm $0x7FFFFFFF  }
0xc3: {  	_ =	shalt  }
tec
execute0_lowered:
.L_overlay_start_1:
0x0: {  	(tag) =	ssettag $0x1  }
0x1: {  	s0 =	rddreg [dreg:$0x0]  }
0x2: {  	s1 =	rddreg [dreg:$0x1]  }
0x3: {  	s2 =	srdreg.scid;
	s3 =	stileid.u32  }
0x4: {  	s8 =	simm.s32 $0x3;
	s9 =	simm.s32 $0x1;
	s19 =	simm.s32 $0x2  }
0x5: {  	s21 =	simm.s32 $0x880;
	s28 =	simm.s32 $0x3080;
	s29 =	simm.s32 $0x3880  }
0x6: {  	s30 =	simm.s32 $0x4080;
	s31 =	simm.s32 $0x4880;
	s10 =	simm.s32 $0x6080  }
0x7: {  	s11 =	simm.s32 $0x6880;
	s12 =	simm.s32 $0x7080;
	s13 =	simm.s32 $0x7880  }
0x8: {  	s18 =	simm.s32 $0x8080;
	s14 =	simm.s32 $0x8880;
	s15 =	simm.s32 $0x9080  }
0x9: {  	s16 =	simm.s32 $0x9880;
	s17 =	simm.s32 $0xA080;
	s4 =	sand.u32 $0x1, s2  }
0xa: {  	s2 =	simm.s32 $0x0;
	s3 =	sshll.u32 s3, $0x8;
	s5 =	sshll.u32 s4, $0x7  }
0xb: {  	[smem:$0x7FF] =	sst s2;
	s4 =	ssub.s32 $0x2, s4;
	s3 =	sor.u32 s5, s3  }
0xc: {  	_ =	strace $0x8000004A;
	s23 =	sshrl.u32 s4, $0x1;
	s5 =	sshll.u32 s3, $0x7  }
0xd: {  	s6 =	sshrl.u32 s3, $0x3;
	s3 =	sadd.s32 $0xB9A00, s0;
	s7 =	ssub.s32 s4, s23  }
0xe: {  	s4 =	sadd.s32 $0xB9B00, s0;
	s5 =	sadd.s32 s5, s0;
	s1 =	sadd.s32 s1, s6  }
0xf: {  	s23 =	simm.s32 $0x1880;
	[dreg:$0x3] =	wrdreg s1;
	s22 =	sadd.s32 $0x1800, s5  }
0x10: {  	s6 =	sadd.s32 $0xB9D00, s0;
	s24 =	sadd.s32 $0x2800, s5;
	[dreg:$0x4] =	wrdreg s22  }
0x11: {  	s7 =	smax.u32 s7, $0x1;
	s25 =	sadd.s32 $0x3800, s5;
	[dreg:$0x5] =	wrdreg s24  }
0x12: {  	v2 =	vlaneseq.u32;
	s26 =	sadd.s32 $0x4800, s5;
	s5 =	sadd.s32 $0xB9C00, s0;
	[dreg:$0x6] =	wrdreg s25  }
0x13: {  	vm0 =	vmmov $0xffff;
	v1 =	vshrl.u32 v2, $0x3;
	s1 =	simm.s32 $0x5880;
	[dreg:$0x7] =	wrdreg s26;
	s25 =	simm.s32 $0x80  }
0x14: {  	v0 =	vand.u32 $0x7, v2;
	v2 =	vor.u32 $0x8, v2;
	v1 =	vmul.u32 $0x8, v1;
	s22 =	simm.s32 $0x1080;
	s24 =	simm.s32 $0x2080;
	s26 =	simm.s32 $0x2880  }
.LBB2_1:
0x15: {  	s20 =	rddreg [dreg:$0x3]  }
0x16: {  	[tilespmem:s2], [sflag:$0x3] =	stream.linear.gather [hbm4b:s20+s2], $0x80, $0x38;
	[tilespmem:$0x10080] =	vst v63  }
0x17: {  	_ =	swait.ge [sflag:s8], $0x80  }
0x18: {  	[sflag:s8] =	ssyncset.done $0x0  }
0x19: {  	[sflag:s8] =	ssyncadd.s32 $0xFFFFFF80  }
0x1a: {  	v3 =	vld [tilespmem:$0x0];
	_ =	sdelay $0x4  }
0x1b: {  	v4 =	vshll.u32 v3, $0x3  }
0x1c: {  	v3 =	vand.u32 $0x7, v3;
	v4 =	vand.u32 $0xFFFFFFC0, v4  }
0x1d: {  	v3 =	vor.u32 v3, v4  }
0x1e: {  	v4 =	vperm.xlane v3, v0;
	_ =	sdelay $0x1  }
0x1f: {  	v4 =	vadd.s32 v1, v4;
	_ =	sdelay $0x4  }
0x20: {  	[tilespmem:s25], [sflag:$0x1] =	stream.indirect_vreg.gather [hbm4b:s3+s2], $0x80, v4, vm0, $0xb8;
	[tilespmem:$0x10080] =	vst v63  }
0x21: {  	v3 =	vperm.xlane v3, v2  }
0x22: {  	[tilespmem:s21], [sflag:$0x1] =	stream.indirect_vreg.gather [hbm4b:s4+s2], $0x80, v4, vm0, $0xb8;
	[tilespmem:$0x10080] =	vst v63  }
0x23: {  	v3 =	vadd.s32 v1, v3  }
0x24: {  	[tilespmem:s22], [sflag:$0x1] =	stream.indirect_vreg.gather [hbm4b:s5+s2], $0x80, v4, vm0, $0xb8;
	[tilespmem:$0x10080] =	vst v63  }
0x25: {  	_ = 	snop  }
0x26: {  	[tilespmem:s23], [sflag:$0x1] =	stream.indirect_vreg.gather [hbm4b:s6+s2], $0x80, v4, vm0, $0xb8;
	[tilespmem:$0x10080] =	vst v63  }
0x27: {  	_ = 	snop  }
0x28: {  	[tilespmem:s24], [sflag:$0x1] =	stream.indirect_vreg.gather [hbm4b:s3+s2], $0x80, v3, vm0, $0xb8;
	[tilespmem:$0x10080] =	vst v63  }
0x29: {  	_ = 	snop  }
0x2a: {  	[tilespmem:s26], [sflag:$0x1] =	stream.indirect_vreg.gather [hbm4b:s4+s2], $0x80, v3, vm0, $0xb8;
	[tilespmem:$0x10080] =	vst v63  }
0x2b: {  	_ = 	snop  }
0x2c: {  	[tilespmem:s28], [sflag:$0x1] =	stream.indirect_vreg.gather [hbm4b:s5+s2], $0x80, v3, vm0, $0xb8;
	[tilespmem:$0x10080] =	vst v63  }
0x2d: {  	_ = 	snop  }
0x2e: {  	[tilespmem:s29], [sflag:$0x1] =	stream.indirect_vreg.gather [hbm4b:s6+s2], $0x80, v3, vm0, $0xb8;
	[tilespmem:$0x10080] =	vst v63  }
0x2f: {  	v3 =	vld [tilespmem:$0x10];
	_ =	sdelay $0x4  }
0x30: {  	v57 =	vshll.u32 v3, $0x3  }
0x31: {  	v3 =	vand.u32 $0x7, v3;
	v4 =	vand.u32 $0xFFFFFFC0, v57  }
0x32: {  	v3 =	vor.u32 v3, v4  }
0x33: {  	v4 =	vperm.xlane v3, v0;
	_ =	sdelay $0x1  }
0x34: {  	v4 =	vadd.s32 v1, v4;
	_ =	sdelay $0x4  }
0x35: {  	[tilespmem:s30], [sflag:$0x1] =	stream.indirect_vreg.gather [hbm4b:s3+s2], $0x80, v4, vm0, $0xb8;
	[tilespmem:$0x10080] =	vst v63  }
0x36: {  	v3 =	vperm.xlane v3, v2  }
0x37: {  	[tilespmem:s31], [sflag:$0x1] =	stream.indirect_vreg.gather [hbm4b:s4+s2], $0x80, v4, vm0, $0xb8;
	[tilespmem:$0x10080] =	vst v63  }
0x38: {  	s0 =	simm.s32 $0x5080;
	v3 =	vadd.s32 v1, v3  }
0x39: {  	[tilespmem:s0], [sflag:$0x1] =	stream.indirect_vreg.gather [hbm4b:s5+s2], $0x80, v4, vm0, $0xb8;
	[tilespmem:$0x10080] =	vst v63  }
0x3a: {  	_ = 	snop  }
0x3b: {  	[tilespmem:s1], [sflag:$0x1] =	stream.indirect_vreg.gather [hbm4b:s6+s2], $0x80, v4, vm0, $0xb8;
	[tilespmem:$0x10080] =	vst v63  }
0x3c: {  	_ = 	snop  }
0x3d: {  	[tilespmem:s10], [sflag:$0x1] =	stream.indirect_vreg.gather [hbm4b:s3+s2], $0x80, v3, vm0, $0xb8;
	[tilespmem:$0x10080] =	vst v63  }
0x3e: {  	_ = 	snop  }
0x3f: {  	[tilespmem:s11], [sflag:$0x1] =	stream.indirect_vreg.gather [hbm4b:s4+s2], $0x80, v3, vm0, $0xb8;
	[tilespmem:$0x10080] =	vst v63  }
0x40: {  	_ = 	snop  }
0x41: {  	[tilespmem:s12], [sflag:$0x1] =	stream.indirect_vreg.gather [hbm4b:s5+s2], $0x80, v3, vm0, $0xb8;
	[tilespmem:$0x10080] =	vst v63  }
0x42: {  	_ = 	snop  }
0x43: {  	[tilespmem:s13], [sflag:$0x1] =	stream.indirect_vreg.gather [hbm4b:s6+s2], $0x80, v3, vm0, $0xb8;
	[tilespmem:$0x10080] =	vst v63  }
0x44: {  	v3 =	vld [tilespmem:$0x20];
	_ =	sdelay $0x4  }
0x45: {  	v58 =	vshll.u32 v3, $0x3  }
0x46: {  	v3 =	vand.u32 $0x7, v3;
	v4 =	vand.u32 $0xFFFFFFC0, v58  }
0x47: {  	v3 =	vor.u32 v3, v4  }
0x48: {  	v4 =	vperm.xlane v3, v0;
	_ =	sdelay $0x1  }
0x49: {  	v4 =	vadd.s32 v1, v4;
	_ =	sdelay $0x4  }
0x4a: {  	[tilespmem:s18], [sflag:$0x2] =	stream.indirect_vreg.gather [hbm4b:s3+s2], $0x80, v4, vm0, $0xb8;
	[tilespmem:$0x10080] =	vst v63  }
0x4b: {  	v3 =	vperm.xlane v3, v2  }
0x4c: {  	[tilespmem:s14], [sflag:$0x2] =	stream.indirect_vreg.gather [hbm4b:s4+s2], $0x80, v4, vm0, $0xb8;
	[tilespmem:$0x10080] =	vst v63  }
0x4d: {  	v3 =	vadd.s32 v1, v3  }
0x4e: {  	[tilespmem:s15], [sflag:$0x2] =	stream.indirect_vreg.gather [hbm4b:s5+s2], $0x80, v4, vm0, $0xb8;
	[tilespmem:$0x10080] =	vst v63  }
0x4f: {  	_ = 	snop  }
0x50: {  	[tilespmem:s16], [sflag:$0x2] =	stream.indirect_vreg.gather [hbm4b:s6+s2], $0x80, v4, vm0, $0xb8;
	[tilespmem:$0x10080] =	vst v63  }
0x51: {  	_ = 	snop  }
0x52: {  	[tilespmem:s17], [sflag:$0x2] =	stream.indirect_vreg.gather [hbm4b:s3+s2], $0x80, v3, vm0, $0xb8;
	[tilespmem:$0x10080] =	vst v63  }
0x53: {  	s20 =	simm.s32 $0xA880  }
0x54: {  	[tilespmem:s20], [sflag:$0x2] =	stream.indirect_vreg.gather [hbm4b:s4+s2], $0x80, v3, vm0, $0xb8;
	[tilespmem:$0x10080] =	vst v63  }
0x55: {  	s20 =	simm.s32 $0xB080  }
0x56: {  	[tilespmem:s20], [sflag:$0x2] =	stream.indirect_vreg.gather [hbm4b:s5+s2], $0x80, v3, vm0, $0xb8;
	[tilespmem:$0x10080] =	vst v63  }
0x57: {  	s20 =	simm.s32 $0xB880  }
0x58: {  	[tilespmem:s20], [sflag:$0x2] =	stream.indirect_vreg.gather [hbm4b:s6+s2], $0x80, v3, vm0, $0xb8;
	[tilespmem:$0x10080] =	vst v63  }
0x59: {  	v3 =	vld [tilespmem:$0x30];
	_ =	sdelay $0x4  }
0x5a: {  	v59 =	vshll.u32 v3, $0x3  }
0x5b: {  	v3 =	vand.u32 $0x7, v3;
	v4 =	vand.u32 $0xFFFFFFC0, v59  }
0x5c: {  	v3 =	vor.u32 v3, v4  }
0x5d: {  	v4 =	vperm.xlane v3, v0;
	_ =	sdelay $0x1  }
0x5e: {  	v4 =	vadd.s32 v1, v4;
	_ =	sdelay $0x3  }
0x5f: {  	s20 =	simm.s32 $0xC080  }
0x60: {  	[tilespmem:s20], [sflag:$0x2] =	stream.indirect_vreg.gather [hbm4b:s3+s2], $0x80, v4, vm0, $0xb8;
	[tilespmem:$0x10080] =	vst v63  }
0x61: {  	v3 =	vperm.xlane v3, v2;
	s20 =	simm.s32 $0xC880  }
0x62: {  	[tilespmem:s20], [sflag:$0x2] =	stream.indirect_vreg.gather [hbm4b:s4+s2], $0x80, v4, vm0, $0xb8;
	[tilespmem:$0x10080] =	vst v63  }
0x63: {  	v3 =	vadd.s32 v1, v3;
	s20 =	simm.s32 $0xD080  }
0x64: {  	[tilespmem:s20], [sflag:$0x2] =	stream.indirect_vreg.gather [hbm4b:s5+s2], $0x80, v4, vm0, $0xb8;
	[tilespmem:$0x10080] =	vst v63  }
0x65: {  	s20 =	simm.s32 $0xD880  }
0x66: {  	[tilespmem:s20], [sflag:$0x2] =	stream.indirect_vreg.gather [hbm4b:s6+s2], $0x80, v4, vm0, $0xb8;
	[tilespmem:$0x10080] =	vst v63  }
0x67: {  	s20 =	simm.s32 $0xE080  }
0x68: {  	[tilespmem:s20], [sflag:$0x2] =	stream.indirect_vreg.gather [hbm4b:s3+s2], $0x80, v3, vm0, $0xb8;
	[tilespmem:$0x10080] =	vst v63  }
0x69: {  	s20 =	simm.s32 $0xE880  }
0x6a: {  	[tilespmem:s20], [sflag:$0x2] =	stream.indirect_vreg.gather [hbm4b:s4+s2], $0x80, v3, vm0, $0xb8;
	[tilespmem:$0x10080] =	vst v63  }
0x6b: {  	s20 =	simm.s32 $0xF080  }
0x6c: {  	[tilespmem:s20], [sflag:$0x2] =	stream.indirect_vreg.gather [hbm4b:s5+s2], $0x80, v3, vm0, $0xb8;
	[tilespmem:$0x10080] =	vst v63  }
0x6d: {  	s20 =	simm.s32 $0xF880  }
0x6e: {  	[tilespmem:s20], [sflag:$0x2] =	stream.indirect_vreg.gather [hbm4b:s6+s2], $0x80, v3, vm0, $0xb8;
	[tilespmem:$0x10080] =	vst v63  }
0x6f: {  	_ =	swait.ge [sflag:s9], $0x8000  }
0x70: {  	[sflag:s9] =	ssyncset.done $0x0  }
0x71: {  	s20 =	rddreg [dreg:$0x4];
	[sflag:s9] =	ssyncadd.s32 $0xFFFF8000  }
0x72: {  	[hbm4b:s20+s2] =	stream.linear.scatter [tilespmem:s25], [sflag:$0x3], $0x8000, $0x38;
	[tilespmem:$0x10080] =	vst v63  }
0x73: {  	_ =	swait.ge [sflag:s8], $0x8000  }
0x74: {  	[sflag:s8] =	ssyncset.done $0x0  }
0x75: {  	[sflag:s8] =	ssyncadd.s32 $0xFFFF8000  }
0x76: {  	v3 =	vld [tilespmem:$0x40];
	_ =	sdelay $0x4  }
0x77: {  	v60 =	vshll.u32 v3, $0x3  }
0x78: {  	v3 =	vand.u32 $0x7, v3;
	v4 =	vand.u32 $0xFFFFFFC0, v60  }
0x79: {  	v3 =	vor.u32 v3, v4  }
0x7a: {  	v4 =	vperm.xlane v3, v0;
	_ =	sdelay $0x1  }
0x7b: {  	v4 =	vadd.s32 v1, v4;
	_ =	sdelay $0x4  }
0x7c: {  	[tilespmem:s25], [sflag:$0x1] =	stream.indirect_vreg.gather [hbm4b:s3+s2], $0x80, v4, vm0, $0xb8;
	[tilespmem:$0x10080] =	vst v63  }
0x7d: {  	v3 =	vperm.xlane v3, v2  }
0x7e: {  	[tilespmem:s21], [sflag:$0x1] =	stream.indirect_vreg.gather [hbm4b:s4+s2], $0x80, v4, vm0, $0xb8;
	[tilespmem:$0x10080] =	vst v63  }
0x7f: {  	v3 =	vadd.s32 v1, v3  }
0x80: {  	[tilespmem:s22], [sflag:$0x1] =	stream.indirect_vreg.gather [hbm4b:s5+s2], $0x80, v4, vm0, $0xb8;
	[tilespmem:$0x10080] =	vst v63  }
0x81: {  	_ = 	snop  }
0x82: {  	[tilespmem:s23], [sflag:$0x1] =	stream.indirect_vreg.gather [hbm4b:s6+s2], $0x80, v4, vm0, $0xb8;
	[tilespmem:$0x10080] =	vst v63  }
0x83: {  	_ = 	snop  }
0x84: {  	[tilespmem:s24], [sflag:$0x1] =	stream.indirect_vreg.gather [hbm4b:s3+s2], $0x80, v3, vm0, $0xb8;
	[tilespmem:$0x10080] =	vst v63  }
0x85: {  	_ = 	snop  }
0x86: {  	[tilespmem:s26], [sflag:$0x1] =	stream.indirect_vreg.gather [hbm4b:s4+s2], $0x80, v3, vm0, $0xb8;
	[tilespmem:$0x10080] =	vst v63  }
0x87: {  	_ = 	snop  }
0x88: {  	[tilespmem:s28], [sflag:$0x1] =	stream.indirect_vreg.gather [hbm4b:s5+s2], $0x80, v3, vm0, $0xb8;
	[tilespmem:$0x10080] =	vst v63  }
0x89: {  	_ = 	snop  }
0x8a: {  	[tilespmem:s29], [sflag:$0x1] =	stream.indirect_vreg.gather [hbm4b:s6+s2], $0x80, v3, vm0, $0xb8;
	[tilespmem:$0x10080] =	vst v63  }
0x8b: {  	v3 =	vld [tilespmem:$0x50];
	_ =	sdelay $0x4  }
0x8c: {  	v61 =	vshll.u32 v3, $0x3  }
0x8d: {  	v3 =	vand.u32 $0x7, v3;
	v4 =	vand.u32 $0xFFFFFFC0, v61  }
0x8e: {  	v3 =	vor.u32 v3, v4  }
0x8f: {  	v4 =	vperm.xlane v3, v0;
	_ =	sdelay $0x1  }
0x90: {  	v4 =	vadd.s32 v1, v4;
	_ =	sdelay $0x4  }
0x91: {  	[tilespmem:s30], [sflag:$0x1] =	stream.indirect_vreg.gather [hbm4b:s3+s2], $0x80, v4, vm0, $0xb8;
	[tilespmem:$0x10080] =	vst v63  }
0x92: {  	v3 =	vperm.xlane v3, v2  }
0x93: {  	[tilespmem:s31], [sflag:$0x1] =	stream.indirect_vreg.gather [hbm4b:s4+s2], $0x80, v4, vm0, $0xb8;
	[tilespmem:$0x10080] =	vst v63  }
0x94: {  	v3 =	vadd.s32 v1, v3  }
0x95: {  	[tilespmem:s0], [sflag:$0x1] =	stream.indirect_vreg.gather [hbm4b:s5+s2], $0x80, v4, vm0, $0xb8;
	[tilespmem:$0x10080] =	vst v63  }
0x96: {  	_ = 	snop  }
0x97: {  	[tilespmem:s1], [sflag:$0x1] =	stream.indirect_vreg.gather [hbm4b:s6+s2], $0x80, v4, vm0, $0xb8;
	[tilespmem:$0x10080] =	vst v63  }
0x98: {  	_ = 	snop  }
0x99: {  	[tilespmem:s10], [sflag:$0x1] =	stream.indirect_vreg.gather [hbm4b:s3+s2], $0x80, v3, vm0, $0xb8;
	[tilespmem:$0x10080] =	vst v63  }
0x9a: {  	_ = 	snop  }
0x9b: {  	[tilespmem:s11], [sflag:$0x1] =	stream.indirect_vreg.gather [hbm4b:s4+s2], $0x80, v3, vm0, $0xb8;
	[tilespmem:$0x10080] =	vst v63  }
0x9c: {  	_ = 	snop  }
0x9d: {  	[tilespmem:s12], [sflag:$0x1] =	stream.indirect_vreg.gather [hbm4b:s5+s2], $0x80, v3, vm0, $0xb8;
	[tilespmem:$0x10080] =	vst v63  }
0x9e: {  	_ = 	snop  }
0x9f: {  	[tilespmem:s13], [sflag:$0x1] =	stream.indirect_vreg.gather [hbm4b:s6+s2], $0x80, v3, vm0, $0xb8;
	[tilespmem:$0x10080] =	vst v63  }
0xa0: {  	_ =	swait.ge [sflag:s19], $0x8000  }
0xa1: {  	[sflag:s19] =	ssyncset.done $0x0  }
0xa2: {  	s0 =	rddreg [dreg:$0x5];
	[sflag:s19] =	ssyncadd.s32 $0xFFFF8000  }
0xa3: {  	[hbm4b:s0+s2] =	stream.linear.scatter [tilespmem:s18], [sflag:$0x3], $0x8000, $0x38;
	[tilespmem:$0x10080] =	vst v63  }
0xa4: {  	_ =	swait.ge [sflag:s8], $0x8000  }
0xa5: {  	[sflag:s8] =	ssyncset.done $0x0  }
0xa6: {  	[sflag:s8] =	ssyncadd.s32 $0xFFFF8000  }
0xa7: {  	v3 =	vld [tilespmem:$0x60];
	_ =	sdelay $0x4  }
0xa8: {  	v62 =	vshll.u32 v3, $0x3  }
0xa9: {  	v3 =	vand.u32 $0x7, v3;
	v4 =	vand.u32 $0xFFFFFFC0, v62  }
0xaa: {  	v3 =	vor.u32 v3, v4  }
0xab: {  	v4 =	vperm.xlane v3, v0;
	_ =	sdelay $0x1  }
0xac: {  	v4 =	vadd.s32 v1, v4;
	_ =	sdelay $0x4  }
0xad: {  	[tilespmem:s18], [sflag:$0x2] =	stream.indirect_vreg.gather [hbm4b:s3+s2], $0x80, v4, vm0, $0xb8;
	[tilespmem:$0x10080] =	vst v63  }
0xae: {  	v3 =	vperm.xlane v3, v2  }
0xaf: {  	[tilespmem:s14], [sflag:$0x2] =	stream.indirect_vreg.gather [hbm4b:s4+s2], $0x80, v4, vm0, $0xb8;
	[tilespmem:$0x10080] =	vst v63  }
0xb0: {  	v3 =	vadd.s32 v1, v3  }
0xb1: {  	[tilespmem:s15], [sflag:$0x2] =	stream.indirect_vreg.gather [hbm4b:s5+s2], $0x80, v4, vm0, $0xb8;
	[tilespmem:$0x10080] =	vst v63  }
0xb2: {  	_ = 	snop  }
0xb3: {  	[tilespmem:s16], [sflag:$0x2] =	stream.indirect_vreg.gather [hbm4b:s6+s2], $0x80, v4, vm0, $0xb8;
	[tilespmem:$0x10080] =	vst v63  }
0xb4: {  	_ = 	snop  }
0xb5: {  	[tilespmem:s17], [sflag:$0x2] =	stream.indirect_vreg.gather [hbm4b:s3+s2], $0x80, v3, vm0, $0xb8;
	[tilespmem:$0x10080] =	vst v63  }
0xb6: {  	s20 =	simm.s32 $0xA880  }
0xb7: {  	[tilespmem:s20], [sflag:$0x2] =	stream.indirect_vreg.gather [hbm4b:s4+s2], $0x80, v3, vm0, $0xb8;
	[tilespmem:$0x10080] =	vst v63  }
0xb8: {  	s20 =	simm.s32 $0xB080  }
0xb9: {  	[tilespmem:s20], [sflag:$0x2] =	stream.indirect_vreg.gather [hbm4b:s5+s2], $0x80, v3, vm0, $0xb8;
	[tilespmem:$0x10080] =	vst v63  }
0xba: {  	s20 =	simm.s32 $0xB880  }
0xbb: {  	[tilespmem:s20], [sflag:$0x2] =	stream.indirect_vreg.gather [hbm4b:s6+s2], $0x80, v3, vm0, $0xb8;
	[tilespmem:$0x10080] =	vst v63  }
0xbc: {  	v3 =	vld [tilespmem:$0x70];
	_ =	sdelay $0x4  }
0xbd: {  	v63 =	vshll.u32 v3, $0x3  }
0xbe: {  	v3 =	vand.u32 $0x7, v3;
	v4 =	vand.u32 $0xFFFFFFC0, v63  }
0xbf: {  	v3 =	vor.u32 v3, v4  }
0xc0: {  	v4 =	vperm.xlane v3, v0;
	_ =	sdelay $0x1  }
0xc1: {  	v4 =	vadd.s32 v1, v4;
	_ =	sdelay $0x3  }
0xc2: {  	s20 =	simm.s32 $0xC080  }
0xc3: {  	[tilespmem:s20], [sflag:$0x2] =	stream.indirect_vreg.gather [hbm4b:s3+s2], $0x80, v4, vm0, $0xb8;
	[tilespmem:$0x10080] =	vst v63  }
0xc4: {  	v3 =	vperm.xlane v3, v2;
	s20 =	simm.s32 $0xC880  }
0xc5: {  	[tilespmem:s20], [sflag:$0x2] =	stream.indirect_vreg.gather [hbm4b:s4+s2], $0x80, v4, vm0, $0xb8;
	[tilespmem:$0x10080] =	vst v63  }
0xc6: {  	v3 =	vadd.s32 v1, v3;
	s20 =	simm.s32 $0xD080  }
0xc7: {  	[tilespmem:s20], [sflag:$0x2] =	stream.indirect_vreg.gather [hbm4b:s5+s2], $0x80, v4, vm0, $0xb8;
	[tilespmem:$0x10080] =	vst v63  }
0xc8: {  	s20 =	simm.s32 $0xD880  }
0xc9: {  	[tilespmem:s20], [sflag:$0x2] =	stream.indirect_vreg.gather [hbm4b:s6+s2], $0x80, v4, vm0, $0xb8;
	[tilespmem:$0x10080] =	vst v63  }
0xca: {  	s20 =	simm.s32 $0xE080  }
0xcb: {  	[tilespmem:s20], [sflag:$0x2] =	stream.indirect_vreg.gather [hbm4b:s3+s2], $0x80, v3, vm0, $0xb8;
	[tilespmem:$0x10080] =	vst v63  }
0xcc: {  	s20 =	simm.s32 $0xE880  }
0xcd: {  	[tilespmem:s20], [sflag:$0x2] =	stream.indirect_vreg.gather [hbm4b:s4+s2], $0x80, v3, vm0, $0xb8;
	[tilespmem:$0x10080] =	vst v63  }
0xce: {  	s20 =	simm.s32 $0xF080  }
0xcf: {  	[tilespmem:s20], [sflag:$0x2] =	stream.indirect_vreg.gather [hbm4b:s5+s2], $0x80, v3, vm0, $0xb8;
	[tilespmem:$0x10080] =	vst v63  }
0xd0: {  	s20 =	simm.s32 $0xF880  }
0xd1: {  	[tilespmem:s20], [sflag:$0x2] =	stream.indirect_vreg.gather [hbm4b:s6+s2], $0x80, v3, vm0, $0xb8;
	[tilespmem:$0x10080] =	vst v63  }
0xd2: {  	_ =	swait.ge [sflag:s9], $0x8000  }
0xd3: {  	[sflag:s9] =	ssyncset.done $0x0  }
0xd4: {  	s0 =	rddreg [dreg:$0x6];
	[sflag:s9] =	ssyncadd.s32 $0xFFFF8000  }
0xd5: {  	[hbm4b:s0+s2] =	stream.linear.scatter [tilespmem:s25], [sflag:$0x3], $0x8000, $0x38;
	[tilespmem:$0x10080] =	vst v63  }
0xd6: {  	_ =	swait.ge [sflag:s8], $0x8000  }
0xd7: {  	[sflag:s8] =	ssyncset.done $0x0  }
0xd8: {  	[sflag:s8] =	ssyncadd.s32 $0xFFFF8000  }
0xd9: {  	_ =	swait.ge [sflag:s19], $0x8000  }
0xda: {  	p0 =	sne.s32 s7, $0x1;
	[sflag:s19] =	ssyncset.done $0x0  }
.Ltmp0:
0xdb: {  	s0 =	rddreg [dreg:$0x7];
	[sflag:s19] =	ssyncadd.s32 $0xFFFF8000;
	(pc) =	sbr.rel @p0 .LBB2_1-.Ltmp0, $4  }
0xdc: {  	[hbm4b:s0+s2] =	stream.linear.scatter [tilespmem:s18], [sflag:$0x3], $0x8000, $0x38;
	[tilespmem:$0x10080] =	vst v63  }
0xdd: {  	_ =	swait.ge [sflag:s8], $0x8000  }
0xde: {  	[sflag:s8] =	ssyncset.done $0x0  }
0xdf: {  	s7 =	sadd.s32 $0xFFFFFFFF, s7;
	[sflag:s8] =	ssyncadd.s32 $0xFFFF8000  }
0xe0: {  	_ =	sfence.sel $0x180000  }
0xe1: {  	[bflag:$0x0] =	sbarrier.arrive $0xFFFF  }
0xe2: {  	_ =	strace $0x9000004A  }
0xe3: {  	s0 =	stileid.u32;
	[bflag:$0x2] =	sbarrier.arrive $0xFFFF  }
0xe4: {  	p0 =	sne.s32 s0, $0x0;
	s0 =	rddreg [dreg:$0x2]  }
0xe5: {  	s0 =	sadd.s32 @!p0 $0x100000, s0  }
0xe6: {  	[sflag:s0] =	ssyncadd.tile.s32 @!p0 $0x1;
	_ =	shalt  }
.Lfunc_end2:
_tile_overlayer_lowered:
.L_overlay_start_2:
0xe7: {  	(tag) =	ssettag $0x2  }
0xe8: {  	s0 =	rddreg [dreg:$0x0];
	s2 =	stileid.u32  }
0xe9: {  	s1 =	rddreg [dreg:$0x1];
	p0 =	sne.s32 s2, $0x0  }
0xea: {  	s3 =	rddreg [dreg:$0x2];
	[bflag:$0x3] =	sbarrier.arrive $0xFFFF;
	s2 =	simm.s32 @!p0 $0x1C03  }
0xeb: {  	[timem:s3], [sflag:s2] =	dma.local @!p0 [hbm:s0], s1  }
0xec: {  	s0 =	simm.s32 @!p0 $0x3  }
0xed: {  	_ =	swait.ge @!p0 [sflag:s0], s1  }
0xee: {  	s1 =	ssub.s32 @!p0 $0x0, s1;
	[sflag:s0] =	ssyncset.done @!p0 $0x0  }
0xef: {  	[sflag:s0] =	ssyncadd.s32 @!p0 s1  }
0xf0: {  	[bflag:$0x3] =	sbarrier.arrive $0xFFFF  }
0xf1: {  	_ =	shalt  }

// kernel: kernel.8.cloned.1.call-start
scs
__scs_entry_jumppad:
0x0: {  	(pc) =	sbr.rel $0x88, $3  }
0x1: {  	(tag) =	ssettag $0x0;
	lr =	simm.s32 $0x1  }
0x2: {  	[smem:$0x3F9A] =	sst lr;
	_ =	strace $0xD0000000  }
0x3: {  	_ = 	snop  }
0x4: {  	_ = 	snop  }
0x5: {  	_ = 	snop  }
0x6: {  	_ = 	snop  }
0x7: {  	_ = 	snop  }
__scs_overlays_trampoline_lowered:
0x8: {  	[smem:$0x3FA9] =	sst s0  }
0x9: {  	[smem:$0x3FAA] =	sst s1  }
0xa: {  	[smem:$0x3FAB] =	sst s2  }
0xb: {  	[smem:$0x3FAC] =	sst s3  }
0xc: {  	[smem:$0x3FAD] =	sst s4  }
0xd: {  	[smem:$0x3FAE] =	sst s5  }
0xe: {  	[smem:$0x3FAF] =	sst s6  }
0xf: {  	[smem:$0x3FB0] =	sst s7  }
0x10: {  	[smem:$0x3FB1] =	sst s8  }
0x11: {  	[smem:$0x3FB2] =	sst s9;
	s0 =	simm.s32 @!p0 $0x0  }
0x12: {  	s1 =	sld [smem:$0x3F98];
	s0 =	simm.s32 @p0 $0x1  }
0x13: {  	[smem:$0x3FB3] =	sst s0;
	s0 =	simm.s32 @!p1 $0x0  }
0x14: {  	s2 =	sld [smem:$0x3F97];
	s0 =	simm.s32 @p1 $0x1  }
0x15: {  	[smem:$0x3FB4] =	sst s0;
	s0 =	simm.s32 @!p2 $0x0  }
0x16: {  	s3 =	sld [smem:$0x3FDB];
	s0 =	simm.s32 @p2 $0x1  }
0x17: {  	s4 =	simm.s32 $0x1BF5;
	[smem:$0x3FB6] =	sst s0  }
0x18: {  	s0 =	sld [smem:$0x3F99];
	_ =	swait.ge [sflag:s4], $0x0  }
0x19: {  	s7 =	sld [smem:$0x3F9A]  }
0x1a: {  	s8 =	sadd.s32 $0xFFFFE003, lr  }
0x1b: {  	s9 =	sadd.s32 $0xFFFFFEF7, lr;
	s5 =	simm.s32 $0xFFFFFFFF;
	p2 =	slt.u32 s8, $0xFFFFF086  }
0x1c: {  	p1 =	slt.u32 s9, $0xF7A;
	s5 =	simm.s32 @!p2 $0x0  }
0x1d: {  	s5 =	simm.s32 @p1 $0x1;
	p0 =	seq.s32 s7, s2  }
0x1e: {  	s7 =	smul.u32 @!p0 $0xF7A, s2;
	p2 =	seq.s32 @!p0 s5, $0x0  }
0x1f: {  	s9 =	smul.u32 $0xF7A, s1;
	s8 =	simm.s32 @!p0 $0x1BF5;
	p2 =	por !p2, p0  }
0x20: {  	[sflag:s8] =	ssyncset.s32 @!p0 $0xFFFFF086;
	s6 =	sadd.s32 @!p0 s3, s7;
	s7 =	simm.s32 @!p0 $0x108  }
0x21: {  	s3 =	sadd.s32 s3, s9;
	s6 =	sadd.s32 @!p0 $0x88, s6;
	s7 =	simm.s32 @p2 $0x1082  }
0x22: {  	[simem:s7], [sflag:s8] =	dma.local @!p0 [hbm:s6], $0xF7A  }
0x23: {  	s9 =	sor.u32 $0xD0000000, s2;
	s6 =	simm.s32 $0x108;
	_ =	swait.ge @!p0 [sflag:s8], $0x0  }
0x24: {  	s3 =	sadd.s32 $0x88, s3;
	s6 =	simm.s32 @!p1 $0x1082;
	[sflag:s4] =	ssyncset.s32 $0xFFFFF086  }
0x25: {  	[simem:s6], [sflag:s4] =	dma.local [hbm:s3], $0xF7A  }
0x26: {  	[smem:$0x3F9A] =	sst s1;
	(tag) =	ssettag s2;
	_ =	strace s9  }
0x27: {  	s1 =	sld [smem:$0x3FAA]  }
0x28: {  	s2 =	sld [smem:$0x3FAB]  }
0x29: {  	s4 =	sld [smem:$0x3FAD]  }
0x2a: {  	p0 =	seq.s32 s5, $0x0;
	s5 =	sld [smem:$0x3FAE]  }
0x2b: {  	s6 =	sld [smem:$0x3FAF]  }
0x2c: {  	s7 =	sld [smem:$0x3FB0]  }
0x2d: {  	s3 =	simm.s32 $0x108;
	s8 =	sld [smem:$0x3FB1]  }
0x2e: {  	s3 =	simm.s32 @!p0 $0x1082;
	s9 =	sld [smem:$0x3FB2]  }
0x2f: {  	lr =	sadd.s32 s0, s3;
	s0 =	sld [smem:$0x3FA9]  }
0x30: {  	s3 =	sld [smem:$0x3FAC]  }
0x31: {  	[smem:$0x3FB5] =	sst s10  }
0x32: {  	s10 =	sld [smem:$0x3FB3];
	_ =	sdelay $0x3  }
0x33: {  	p0 =	seq.s32 s10, $0x1;
	s10 =	sld [smem:$0x3FB5];
	_ =	sdelay $0x3  }
0x34: {  	[smem:$0x3FB5] =	sst s10  }
0x35: {  	s10 =	sld [smem:$0x3FB4];
	_ =	sdelay $0x3  }
0x36: {  	p1 =	seq.s32 s10, $0x1;
	s10 =	sld [smem:$0x3FB5];
	_ =	sdelay $0x3  }
0x37: {  	[smem:$0x3FB5] =	sst s10  }
0x38: {  	s10 =	sld [smem:$0x3FB6]  }
0x39: {  	_ = 	snop;
	(pc) =	sbr.ind lr, $3  }
0x3a: {  	_ = 	snop  }
0x3b: {  	_ = 	snop  }
0x3c: {  	p2 =	seq.s32 s10, $0x1;
	s10 =	sld [smem:$0x3FB5]  }
0x3d: {  	_ =	shalt  }
0x3e: {  	_ =	shalt  }
0x3f: {  	_ =	shalt  }
0x40: {  	_ =	shalt  }
0x41: {  	_ =	shalt  }
0x42: {  	_ =	shalt  }
0x43: {  	_ =	shalt  }
0x44: {  	_ =	shalt  }
0x45: {  	_ =	shalt  }
0x46: {  	_ =	shalt  }
0x47: {  	_ =	shalt  }
0x48: {  	_ =	shalt  }
0x49: {  	_ =	shalt  }
0x4a: {  	_ =	shalt  }
0x4b: {  	_ =	shalt  }
0x4c: {  	_ =	shalt  }
0x4d: {  	_ =	shalt  }
0x4e: {  	_ =	shalt  }
0x4f: {  	_ =	shalt  }
0x50: {  	_ =	shalt  }
0x51: {  	_ =	shalt  }
0x52: {  	_ =	shalt  }
0x53: {  	_ =	shalt  }
0x54: {  	_ =	shalt  }
0x55: {  	_ =	shalt  }
0x56: {  	_ =	shalt  }
0x57: {  	_ =	shalt  }
0x58: {  	_ =	shalt  }
0x59: {  	_ =	shalt  }
0x5a: {  	_ =	shalt  }
0x5b: {  	_ =	shalt  }
0x5c: {  	_ =	shalt  }
0x5d: {  	_ =	shalt  }
0x5e: {  	_ =	shalt  }
0x5f: {  	_ =	shalt  }
0x60: {  	_ =	shalt  }
0x61: {  	_ =	shalt  }
0x62: {  	_ =	shalt  }
0x63: {  	_ =	shalt  }
0x64: {  	_ =	shalt  }
0x65: {  	_ =	shalt  }
0x66: {  	_ =	shalt  }
0x67: {  	_ =	shalt  }
0x68: {  	_ =	shalt  }
0x69: {  	_ =	shalt  }
0x6a: {  	_ =	shalt  }
0x6b: {  	_ =	shalt  }
0x6c: {  	_ =	shalt  }
0x6d: {  	_ =	shalt  }
0x6e: {  	_ =	shalt  }
0x6f: {  	_ =	shalt  }
0x70: {  	_ =	shalt  }
0x71: {  	_ =	shalt  }
0x72: {  	_ =	shalt  }
0x73: {  	_ =	shalt  }
0x74: {  	_ =	shalt  }
0x75: {  	_ =	shalt  }
0x76: {  	_ =	shalt  }
0x77: {  	_ =	shalt  }
0x78: {  	_ =	shalt  }
0x79: {  	_ =	shalt  }
0x7a: {  	_ =	shalt  }
0x7b: {  	_ =	shalt  }
0x7c: {  	_ =	shalt  }
0x7d: {  	_ =	shalt  }
0x7e: {  	_ =	shalt  }
0x7f: {  	_ =	shalt  }
0x80: {  	_ =	shalt  }
0x81: {  	_ =	shalt  }
0x82: {  	_ =	shalt  }
0x83: {  	_ =	shalt  }
0x84: {  	_ =	shalt  }
0x85: {  	_ =	shalt  }
0x86: {  	_ =	shalt  }
0x87: {  	_ =	shalt  }
.Lfunc_end0:
.L_simem_size_0:
called_computation_lowered:
.L_overlay_start_0:
0x88: {  	s2 =	sld [smem:$0x3FD9]  }
0x89: {  	s3 =	sld [smem:$0x3FFE];
	_ =	sdelay $0x1  }
0x8a: {  	s1 =	srdreg.scid  }
0x8b: {  	s0 =	sand.u32 $0x1, s1  }
0x8c: {  	s17 =	sshll.u32 s0, $0xA;
	s2 =	sadd.s32 s3, s2  }
0x8d: {  	s2 =	sadd.s32 s2, s17  }
0x8e: {  	[smem:$0x3FC1] =	sst s2  }
0x8f: {  	_ = 	snop  }
0x90: {  	s2 =	sld [smem:$0x3FC9]  }
0x91: {  	s18 =	sld [smem:$0x3FD0];
	(tm) =	ssettm $0x1  }
0x92: {  	s4 =	sld [smem:$0x3FFB];
	_ =	sdelay $0x3  }
0x93: {  	_ =	strace s4  }
0x94: {  	s4 =	sld [smem:$0x3FFC];
	_ =	sdelay $0x3  }
0x95: {  	_ =	strace s4  }
0x96: {  	s4 =	sld [smem:$0x3FFD];
	_ =	sdelay $0x3  }
0x97: {  	_ =	strace s4  }
0x98: {  	_ =	strace $0x8FFFFFFF  }
0x99: {  	s19 =	sld [smem:$0x3FDB];
	_ =	sdelay $0x1  }
0x9a: {  	s5 =	simm.s32 $_scs_section_size  }
0x9b: {  	s6 =	simm.s32 $_size__tile_overlayer_lowered;
	s7 =	simm.s32 $_tile_overlayer_lowered  }
0x9c: {  	s22 =	simm.s32 $0x1BFF;
	s21 =	sshll.u32 s7, $0x1;
	s4 =	sadd.s32 s5, s19  }
0x9d: {  	s8 =	simm.s32 $0x0;
	s20 =	sshll.u32 s6, $0x1;
	s6 =	sadd.s32 s21, s4  }
0x9e: {  	[timem:s8], [sflag:s22] =	dma.local [hbm:s6], s20  }
0x9f: {  	_ =	swait.ge [sflag:s22], s20  }
0xa0: {  	s5 =	ssub.s32 $0x0, s20;
	[sflag:s22] =	ssyncset.done $0x0  }
0xa1: {  	[sflag:s22] =	ssyncadd.s32 s5;
	_ =	sdelay $0x1  }
0xa2: {  	s23 =	simm.s32 $0x1B8B  }
0xa3: {  	_ =	swait.ge [sflag:s23], $0x1  }
0xa4: {  	[sflag:s23] =	ssyncset.done $0x0  }
0xa5: {  	s25 =	simm.s32 $0x1B8E;
	s24 =	sld [smem:$0x3FFE];
	[sflag:s23] =	ssyncadd.s32 $0xFFFFFFFF  }
0xa6: {  	s26 =	simm.s32 $execute0_lowered;
	[smem:$0x3FD2] =	sst s25  }
0xa7: {  	s6 =	sshll.u32 s26, $0x1;
	_ =	strace $0x80000046;
	[dreg:$0x1] =	wrdreg $0xFFFFFFFF  }
0xa8: {  	s28 =	simm.s32 $_size_execute0_lowered;
	s4 =	sadd.s32 s4, s6;
	[dreg:$0x0] =	wrdreg $0x0  }
0xa9: {  	s6 =	sshll.u32 s28, $0x1;
	[dreg:$0x2] =	wrdreg s4  }
0xaa: {  	[dreg:$0x3] =	wrdreg s6  }
0xab: {  	[dreg:$0x4] =	wrdreg $0xC0  }
0xac: {  	_ =	task [dreg:s8], $0x5FFFF  }
0xad: {  	[dreg:$0x1] =	wrdreg $0xFFFFFFFF  }
0xae: {  	[dreg:$0x0] =	wrdreg $0x60  }
0xaf: {  	[dreg:$0x2] =	wrdreg s2  }
0xb0: {  	[dreg:$0x3] =	wrdreg s18  }
0xb1: {  	[dreg:$0x4] =	wrdreg s24  }
0xb2: {  	[dreg:$0x5] =	wrdreg $0x9  }
0xb3: {  	_ =	task.clear_ibuf [dreg:s8], $0x6FFFF;
	_ =	strace $0x90000046  }
0xb4: {  	s29 =	simm.s32 $0x9;
	_ =	strace $0x80000048  }
0xb5: {  	_ =	swait.ge [sflag:s29], $0x1  }
0xb6: {  	[sflag:s29] =	ssyncadd.s32 $0xFFFFFFFF  }
0xb7: {  	_ =	strace $0x90000048  }
0xb8: {  	_ =	sfence  }
0xb9: {  	s30 =	sld [smem:$0x0];
	_ =	sdelay $0x2  }
0xba: {  	s31 =	sshll.u32 s1, $0xD;
	s1 =	sshrl.u32 s1, $0x2  }
0xbb: {  	s3 =	sand.u32 $0x4000, s31;
	s1 =	sadd.s32 s1, s30  }
0xbc: {  	s0 =	sor.u32 s3, s0;
	s1 =	sshll.u32 s1, $0x11  }
0xbd: {  	s0 =	sor.u32 s1, s0  }
0xbe: {  	s0 =	sadd.s32 $0x8F2B, s0  }
0xbf: {  	[sflag:s0] =	ssyncadd.remote.s32 $0x1  }
0xc0: {  	_ =	sfence.sel $0xFFFF  }
0xc1: {  	[dreg:$0x0] =	wrdreg $0xFFFFFFFF;
	(pc) =	sbr.abs _section_cstart, $3  }
0xc2: {  	[dreg:$0x1] =	wrdreg $0xFFFFFFFF  }
0xc3: {  	_ =	task.clear_ibuf [dreg:s8], $0x2FFFF;
	_ =	strace $0x9FFFFFFF  }
0xc4: {  	(tm) =	ssettm $0x7FFFFFFF  }
0xc5: {  	_ =	shalt  }
tec
execute0_lowered:
.L_overlay_start_1:
0x0: {  	(tag) =	ssettag $0x1  }
0x1: {  	s0 =	rddreg [dreg:$0x0]  }
0x2: {  	s1 =	srdreg.scid;
	s4 =	rddreg [dreg:$0x1]  }
0x3: {  	s2 =	stileid.u32;
	s7 =	rddreg [dreg:$0x2]  }
0x4: {  	s26 =	simm.s32 $0x80;
	s9 =	simm.s32 $0x2;
	s19 =	simm.s32 $0x1  }
0x5: {  	s22 =	simm.s32 $0x1900;
	s23 =	simm.s32 $0x2100;
	s24 =	simm.s32 $0x2900  }
0x6: {  	s28 =	simm.s32 $0x4100;
	s29 =	simm.s32 $0x4900;
	s30 =	simm.s32 $0x5100  }
0x7: {  	s31 =	simm.s32 $0x5900;
	s11 =	simm.s32 $0x7900;
	s12 =	simm.s32 $0x8100  }
0x8: {  	s13 =	simm.s32 $0x8900;
	s14 =	simm.s32 $0x9100;
	s15 =	simm.s32 $0x9900  }
0x9: {  	s16 =	simm.s32 $0xA100;
	s17 =	simm.s32 $0xA900;
	s18 =	simm.s32 $0xB100  }
0xa: {  	s1 =	sand.u32 $0x1, s1;
	s3 =	sshll.u32 s2, $0x7;
	s2 =	simm.s32 $0x0  }
0xb: {  	s10 =	simm.s32 $0xB900;
	s5 =	sshll.u32 s1, $0x6;
	[smem:$0x7FF] =	sst s2  }
0xc: {  	s1 =	ssub.s32 $0x2, s1;
	s5 =	sor.u32 s5, s3;
	_ =	strace $0x80000047  }
0xd: {  	s3 =	sadd.s32 $0x1A00, s7;
	s25 =	sshrl.u32 s1, $0x1;
	[dreg:$0x6] =	wrdreg s26  }
0xe: {  	s26 =	simm.s32 $0x3900;
	s6 =	sshrl.u32 s5, $0x3;
	s5 =	sshll.u32 s5, $0x7  }
0xf: {  	s1 =	ssub.s32 s1, s25;
	s25 =	simm.s32 $0x3100;
	s4 =	sadd.s32 s4, s6  }
0x10: {  	v2 =	vlaneseq.u32;
	s0 =	sadd.s32 s0, s5;
	s5 =	sadd.s32 $0x1B00, s7;
	[dreg:$0x7] =	wrdreg s4  }
0x11: {  	vm0 =	vmmov $0xffff;
	v1 =	vshrl.u32 v2, $0x3;
	s6 =	sadd.s32 $0x1C00, s7;
	s4 =	sadd.s32 $0x100, s4;
	[dreg:$0x5] =	wrdreg s0  }
0x12: {  	v0 =	vand.u32 $0x7, v2;
	v2 =	vor.u32 $0x8, v2;
	v1 =	vmul.u32 $0x8, v1;
	s7 =	sadd.s32 $0x1D00, s7;
	s8 =	smax.u32 s1, $0x1;
	[dreg:$0x4] =	wrdreg s4  }
.LBB2_1:
0x13: {  	s20 =	rddreg [dreg:$0x7]  }
0x14: {  	[tilespmem:s2], [sflag:$0x2] =	stream.linear.gather [hbm4b:s20+s2], $0x40, $0x38;
	[tilespmem:$0x10100] =	vst v63  }
0x15: {  	_ =	swait.ge [sflag:s9], $0x40  }
0x16: {  	s1 =	rddreg [dreg:$0x4];
	[sflag:s9] =	ssyncset.done $0x0  }
0x17: {  	s21 =	rddreg [dreg:$0x6];
	[sflag:s9] =	ssyncadd.s32 $0xFFFFFFC0  }
0x18: {  	[tilespmem:s21], [sflag:$0x2] =	stream.linear.gather [hbm4b:s1+s2], $0x40, $0x38;
	[tilespmem:$0x10100] =	vst v63  }
0x19: {  	_ =	swait.ge [sflag:s9], $0x40  }
0x1a: {  	[sflag:s9] =	ssyncset.done $0x0  }
0x1b: {  	s0 =	simm.s32 $0x100;
	s4 =	rddreg [dreg:$0x5];
	[sflag:s9] =	ssyncadd.s32 $0xFFFFFFC0  }
0x1c: {  	[tilespmem:s0], [sflag:$0x2] =	stream.linear.gather [hbm4b:s4+s2], $0x10000, $0x38;
	[tilespmem:$0x10100] =	vst v63  }
0x1d: {  	_ =	swait.ge [sflag:s9], $0x10000  }
0x1e: {  	[sflag:s9] =	ssyncset.done $0x0  }
0x1f: {  	[sflag:s9] =	ssyncadd.s32 $0xFFFF0000  }
0x20: {  	v3 =	vld [tilespmem:$0x0];
	_ =	sdelay $0x4  }
0x21: {  	v4 =	vshll.u32 v3, $0x3  }
0x22: {  	v3 =	vand.u32 $0x7, v3;
	v4 =	vand.u32 $0xFFFFFFC0, v4  }
0x23: {  	v3 =	vor.u32 v3, v4  }
0x24: {  	v4 =	vperm.xlane v3, v0;
	_ =	sdelay $0x1  }
0x25: {  	v4 =	vadd.s32 v1, v4;
	_ =	sdelay $0x4  }
0x26: {  	[hbm4b:s3+s2] =	stream.indirect_vreg.scatter [tilespmem:s0], [sflag:$0x1], $0x80, v4, vm0, $0xb8;
	[tilespmem:$0x10100] =	vst v63  }
0x27: {  	s20 =	simm.s32 $0x900;
	v3 =	vperm.xlane v3, v2  }
0x28: {  	[hbm4b:s5+s2] =	stream.indirect_vreg.scatter [tilespmem:s20], [sflag:$0x1], $0x80, v4, vm0, $0xb8;
	[tilespmem:$0x10100] =	vst v63  }
0x29: {  	s21 =	simm.s32 $0x1100;
	v3 =	vadd.s32 v1, v3  }
0x2a: {  	[hbm4b:s6+s2] =	stream.indirect_vreg.scatter [tilespmem:s21], [sflag:$0x1], $0x80, v4, vm0, $0xb8;
	[tilespmem:$0x10100] =	vst v63  }
0x2b: {  	_ = 	snop  }
0x2c: {  	[hbm4b:s7+s2] =	stream.indirect_vreg.scatter [tilespmem:s22], [sflag:$0x1], $0x80, v4, vm0, $0xb8;
	[tilespmem:$0x10100] =	vst v63  }
0x2d: {  	_ = 	snop  }
0x2e: {  	[hbm4b:s3+s2] =	stream.indirect_vreg.scatter [tilespmem:s23], [sflag:$0x1], $0x80, v3, vm0, $0xb8;
	[tilespmem:$0x10100] =	vst v63  }
0x2f: {  	_ = 	snop  }
0x30: {  	[hbm4b:s5+s2] =	stream.indirect_vreg.scatter [tilespmem:s24], [sflag:$0x1], $0x80, v3, vm0, $0xb8;
	[tilespmem:$0x10100] =	vst v63  }
0x31: {  	_ = 	snop  }
0x32: {  	[hbm4b:s6+s2] =	stream.indirect_vreg.scatter [tilespmem:s25], [sflag:$0x1], $0x80, v3, vm0, $0xb8;
	[tilespmem:$0x10100] =	vst v63  }
0x33: {  	_ = 	snop  }
0x34: {  	[hbm4b:s7+s2] =	stream.indirect_vreg.scatter [tilespmem:s26], [sflag:$0x1], $0x80, v3, vm0, $0xb8;
	[tilespmem:$0x10100] =	vst v63  }
0x35: {  	v3 =	vld [tilespmem:$0x10];
	_ =	sdelay $0x4  }
0x36: {  	v57 =	vshll.u32 v3, $0x3  }
0x37: {  	v3 =	vand.u32 $0x7, v3;
	v4 =	vand.u32 $0xFFFFFFC0, v57  }
0x38: {  	v3 =	vor.u32 v3, v4  }
0x39: {  	v4 =	vperm.xlane v3, v0;
	_ =	sdelay $0x1  }
0x3a: {  	v4 =	vadd.s32 v1, v4;
	_ =	sdelay $0x4  }
0x3b: {  	[hbm4b:s3+s2] =	stream.indirect_vreg.scatter [tilespmem:s28], [sflag:$0x1], $0x80, v4, vm0, $0xb8;
	[tilespmem:$0x10100] =	vst v63  }
0x3c: {  	v3 =	vperm.xlane v3, v2  }
0x3d: {  	[hbm4b:s5+s2] =	stream.indirect_vreg.scatter [tilespmem:s29], [sflag:$0x1], $0x80, v4, vm0, $0xb8;
	[tilespmem:$0x10100] =	vst v63  }
0x3e: {  	v3 =	vadd.s32 v1, v3  }
0x3f: {  	[hbm4b:s6+s2] =	stream.indirect_vreg.scatter [tilespmem:s30], [sflag:$0x1], $0x80, v4, vm0, $0xb8;
	[tilespmem:$0x10100] =	vst v63  }
0x40: {  	_ = 	snop  }
0x41: {  	[hbm4b:s7+s2] =	stream.indirect_vreg.scatter [tilespmem:s31], [sflag:$0x1], $0x80, v4, vm0, $0xb8;
	[tilespmem:$0x10100] =	vst v63  }
0x42: {  	s1 =	simm.s32 $0x6100  }
0x43: {  	[hbm4b:s3+s2] =	stream.indirect_vreg.scatter [tilespmem:s1], [sflag:$0x1], $0x80, v3, vm0, $0xb8;
	[tilespmem:$0x10100] =	vst v63  }
0x44: {  	s4 =	simm.s32 $0x6900  }
0x45: {  	[hbm4b:s5+s2] =	stream.indirect_vreg.scatter [tilespmem:s4], [sflag:$0x1], $0x80, v3, vm0, $0xb8;
	[tilespmem:$0x10100] =	vst v63  }
0x46: {  	s4 =	simm.s32 $0x7100  }
0x47: {  	[hbm4b:s6+s2] =	stream.indirect_vreg.scatter [tilespmem:s4], [sflag:$0x1], $0x80, v3, vm0, $0xb8;
	[tilespmem:$0x10100] =	vst v63  }
0x48: {  	_ = 	snop  }
0x49: {  	[hbm4b:s7+s2] =	stream.indirect_vreg.scatter [tilespmem:s11], [sflag:$0x1], $0x80, v3, vm0, $0xb8;
	[tilespmem:$0x10100] =	vst v63  }
0x4a: {  	v3 =	vld [tilespmem:$0x20];
	_ =	sdelay $0x4  }
0x4b: {  	v58 =	vshll.u32 v3, $0x3  }
0x4c: {  	v3 =	vand.u32 $0x7, v3;
	v4 =	vand.u32 $0xFFFFFFC0, v58  }
0x4d: {  	v3 =	vor.u32 v3, v4  }
0x4e: {  	v4 =	vperm.xlane v3, v0;
	_ =	sdelay $0x1  }
0x4f: {  	v4 =	vadd.s32 v1, v4;
	_ =	sdelay $0x4  }
0x50: {  	[hbm4b:s3+s2] =	stream.indirect_vreg.scatter [tilespmem:s12], [sflag:$0x1], $0x80, v4, vm0, $0xb8;
	[tilespmem:$0x10100] =	vst v63  }
0x51: {  	v3 =	vperm.xlane v3, v2  }
0x52: {  	[hbm4b:s5+s2] =	stream.indirect_vreg.scatter [tilespmem:s13], [sflag:$0x1], $0x80, v4, vm0, $0xb8;
	[tilespmem:$0x10100] =	vst v63  }
0x53: {  	v3 =	vadd.s32 v1, v3  }
0x54: {  	[hbm4b:s6+s2] =	stream.indirect_vreg.scatter [tilespmem:s14], [sflag:$0x1], $0x80, v4, vm0, $0xb8;
	[tilespmem:$0x10100] =	vst v63  }
0x55: {  	_ = 	snop  }
0x56: {  	[hbm4b:s7+s2] =	stream.indirect_vreg.scatter [tilespmem:s15], [sflag:$0x1], $0x80, v4, vm0, $0xb8;
	[tilespmem:$0x10100] =	vst v63  }
0x57: {  	_ = 	snop  }
0x58: {  	[hbm4b:s3+s2] =	stream.indirect_vreg.scatter [tilespmem:s16], [sflag:$0x1], $0x80, v3, vm0, $0xb8;
	[tilespmem:$0x10100] =	vst v63  }
0x59: {  	_ = 	snop  }
0x5a: {  	[hbm4b:s5+s2] =	stream.indirect_vreg.scatter [tilespmem:s17], [sflag:$0x1], $0x80, v3, vm0, $0xb8;
	[tilespmem:$0x10100] =	vst v63  }
0x5b: {  	_ = 	snop  }
0x5c: {  	[hbm4b:s6+s2] =	stream.indirect_vreg.scatter [tilespmem:s18], [sflag:$0x1], $0x80, v3, vm0, $0xb8;
	[tilespmem:$0x10100] =	vst v63  }
0x5d: {  	_ = 	snop  }
0x5e: {  	[hbm4b:s7+s2] =	stream.indirect_vreg.scatter [tilespmem:s10], [sflag:$0x1], $0x80, v3, vm0, $0xb8;
	[tilespmem:$0x10100] =	vst v63  }
0x5f: {  	v3 =	vld [tilespmem:$0x30];
	_ =	sdelay $0x4  }
0x60: {  	v59 =	vshll.u32 v3, $0x3  }
0x61: {  	v3 =	vand.u32 $0x7, v3;
	v4 =	vand.u32 $0xFFFFFFC0, v59  }
0x62: {  	v3 =	vor.u32 v3, v4  }
0x63: {  	v4 =	vperm.xlane v3, v0;
	_ =	sdelay $0x1  }
0x64: {  	v4 =	vadd.s32 v1, v4;
	_ =	sdelay $0x3  }
0x65: {  	s1 =	simm.s32 $0xC100  }
0x66: {  	[hbm4b:s3+s2] =	stream.indirect_vreg.scatter [tilespmem:s1], [sflag:$0x1], $0x80, v4, vm0, $0xb8;
	[tilespmem:$0x10100] =	vst v63  }
0x67: {  	v3 =	vperm.xlane v3, v2;
	s1 =	simm.s32 $0xC900  }
0x68: {  	[hbm4b:s5+s2] =	stream.indirect_vreg.scatter [tilespmem:s1], [sflag:$0x1], $0x80, v4, vm0, $0xb8;
	[tilespmem:$0x10100] =	vst v63  }
0x69: {  	v3 =	vadd.s32 v1, v3;
	s1 =	simm.s32 $0xD100  }
0x6a: {  	[hbm4b:s6+s2] =	stream.indirect_vreg.scatter [tilespmem:s1], [sflag:$0x1], $0x80, v4, vm0, $0xb8;
	[tilespmem:$0x10100] =	vst v63  }
0x6b: {  	s1 =	simm.s32 $0xD900  }
0x6c: {  	[hbm4b:s7+s2] =	stream.indirect_vreg.scatter [tilespmem:s1], [sflag:$0x1], $0x80, v4, vm0, $0xb8;
	[tilespmem:$0x10100] =	vst v63  }
0x6d: {  	s1 =	simm.s32 $0xE100  }
0x6e: {  	[hbm4b:s3+s2] =	stream.indirect_vreg.scatter [tilespmem:s1], [sflag:$0x1], $0x80, v3, vm0, $0xb8;
	[tilespmem:$0x10100] =	vst v63  }
0x6f: {  	s1 =	simm.s32 $0xE900  }
0x70: {  	[hbm4b:s5+s2] =	stream.indirect_vreg.scatter [tilespmem:s1], [sflag:$0x1], $0x80, v3, vm0, $0xb8;
	[tilespmem:$0x10100] =	vst v63  }
0x71: {  	s1 =	simm.s32 $0xF100  }
0x72: {  	[hbm4b:s6+s2] =	stream.indirect_vreg.scatter [tilespmem:s1], [sflag:$0x1], $0x80, v3, vm0, $0xb8;
	[tilespmem:$0x10100] =	vst v63  }
0x73: {  	s1 =	simm.s32 $0xF900  }
0x74: {  	[hbm4b:s7+s2] =	stream.indirect_vreg.scatter [tilespmem:s1], [sflag:$0x1], $0x80, v3, vm0, $0xb8;
	[tilespmem:$0x10100] =	vst v63  }
0x75: {  	v3 =	vld [tilespmem:$0x80];
	_ =	sdelay $0x4  }
0x76: {  	v60 =	vshll.u32 v3, $0x3  }
0x77: {  	v3 =	vand.u32 $0x7, v3;
	v4 =	vand.u32 $0xFFFFFFC0, v60  }
0x78: {  	v3 =	vor.u32 v3, v4  }
0x79: {  	v4 =	vperm.xlane v3, v0;
	_ =	sdelay $0x1  }
0x7a: {  	v4 =	vadd.s32 v1, v4;
	_ =	sdelay $0x4  }
0x7b: {  	[hbm4b:s3+s2] =	stream.indirect_vreg.scatter [tilespmem:s0], [sflag:$0x1], $0x80, v4, vm0, $0xb8;
	[tilespmem:$0x10100] =	vst v63  }
0x7c: {  	v3 =	vperm.xlane v3, v2  }
0x7d: {  	[hbm4b:s5+s2] =	stream.indirect_vreg.scatter [tilespmem:s20], [sflag:$0x1], $0x80, v4, vm0, $0xb8;
	[tilespmem:$0x10100] =	vst v63  }
0x7e: {  	v3 =	vadd.s32 v1, v3  }
0x7f: {  	[hbm4b:s6+s2] =	stream.indirect_vreg.scatter [tilespmem:s21], [sflag:$0x1], $0x80, v4, vm0, $0xb8;
	[tilespmem:$0x10100] =	vst v63  }
0x80: {  	_ = 	snop  }
0x81: {  	[hbm4b:s7+s2] =	stream.indirect_vreg.scatter [tilespmem:s22], [sflag:$0x1], $0x80, v4, vm0, $0xb8;
	[tilespmem:$0x10100] =	vst v63  }
0x82: {  	_ = 	snop  }
0x83: {  	[hbm4b:s3+s2] =	stream.indirect_vreg.scatter [tilespmem:s23], [sflag:$0x1], $0x80, v3, vm0, $0xb8;
	[tilespmem:$0x10100] =	vst v63  }
0x84: {  	_ = 	snop  }
0x85: {  	[hbm4b:s5+s2] =	stream.indirect_vreg.scatter [tilespmem:s24], [sflag:$0x1], $0x80, v3, vm0, $0xb8;
	[tilespmem:$0x10100] =	vst v63  }
0x86: {  	_ = 	snop  }
0x87: {  	[hbm4b:s6+s2] =	stream.indirect_vreg.scatter [tilespmem:s25], [sflag:$0x1], $0x80, v3, vm0, $0xb8;
	[tilespmem:$0x10100] =	vst v63  }
0x88: {  	_ = 	snop  }
0x89: {  	[hbm4b:s7+s2] =	stream.indirect_vreg.scatter [tilespmem:s26], [sflag:$0x1], $0x80, v3, vm0, $0xb8;
	[tilespmem:$0x10100] =	vst v63  }
0x8a: {  	v3 =	vld [tilespmem:$0x90];
	_ =	sdelay $0x4  }
0x8b: {  	v61 =	vshll.u32 v3, $0x3  }
0x8c: {  	v3 =	vand.u32 $0x7, v3;
	v4 =	vand.u32 $0xFFFFFFC0, v61  }
0x8d: {  	v3 =	vor.u32 v3, v4  }
0x8e: {  	v4 =	vperm.xlane v3, v0;
	_ =	sdelay $0x1  }
0x8f: {  	v4 =	vadd.s32 v1, v4;
	_ =	sdelay $0x4  }
0x90: {  	[hbm4b:s3+s2] =	stream.indirect_vreg.scatter [tilespmem:s28], [sflag:$0x1], $0x80, v4, vm0, $0xb8;
	[tilespmem:$0x10100] =	vst v63  }
0x91: {  	v3 =	vperm.xlane v3, v2  }
0x92: {  	[hbm4b:s5+s2] =	stream.indirect_vreg.scatter [tilespmem:s29], [sflag:$0x1], $0x80, v4, vm0, $0xb8;
	[tilespmem:$0x10100] =	vst v63  }
0x93: {  	v3 =	vadd.s32 v1, v3  }
0x94: {  	[hbm4b:s6+s2] =	stream.indirect_vreg.scatter [tilespmem:s30], [sflag:$0x1], $0x80, v4, vm0, $0xb8;
	[tilespmem:$0x10100] =	vst v63  }
0x95: {  	_ = 	snop  }
0x96: {  	[hbm4b:s7+s2] =	stream.indirect_vreg.scatter [tilespmem:s31], [sflag:$0x1], $0x80, v4, vm0, $0xb8;
	[tilespmem:$0x10100] =	vst v63  }
0x97: {  	s21 =	simm.s32 $0x6100  }
0x98: {  	[hbm4b:s3+s2] =	stream.indirect_vreg.scatter [tilespmem:s21], [sflag:$0x1], $0x80, v3, vm0, $0xb8;
	[tilespmem:$0x10100] =	vst v63  }
0x99: {  	s20 =	simm.s32 $0x6900  }
0x9a: {  	[hbm4b:s5+s2] =	stream.indirect_vreg.scatter [tilespmem:s20], [sflag:$0x1], $0x80, v3, vm0, $0xb8;
	[tilespmem:$0x10100] =	vst v63  }
0x9b: {  	_ = 	snop  }
0x9c: {  	[hbm4b:s6+s2] =	stream.indirect_vreg.scatter [tilespmem:s4], [sflag:$0x1], $0x80, v3, vm0, $0xb8;
	[tilespmem:$0x10100] =	vst v63  }
0x9d: {  	_ = 	snop  }
0x9e: {  	[hbm4b:s7+s2] =	stream.indirect_vreg.scatter [tilespmem:s11], [sflag:$0x1], $0x80, v3, vm0, $0xb8;
	[tilespmem:$0x10100] =	vst v63  }
0x9f: {  	v3 =	vld [tilespmem:$0xA0];
	_ =	sdelay $0x4  }
0xa0: {  	v62 =	vshll.u32 v3, $0x3  }
0xa1: {  	v3 =	vand.u32 $0x7, v3;
	v4 =	vand.u32 $0xFFFFFFC0, v62  }
0xa2: {  	v3 =	vor.u32 v3, v4  }
0xa3: {  	v4 =	vperm.xlane v3, v0;
	_ =	sdelay $0x1  }
0xa4: {  	v4 =	vadd.s32 v1, v4;
	_ =	sdelay $0x4  }
0xa5: {  	[hbm4b:s3+s2] =	stream.indirect_vreg.scatter [tilespmem:s12], [sflag:$0x1], $0x80, v4, vm0, $0xb8;
	[tilespmem:$0x10100] =	vst v63  }
0xa6: {  	v3 =	vperm.xlane v3, v2  }
0xa7: {  	[hbm4b:s5+s2] =	stream.indirect_vreg.scatter [tilespmem:s13], [sflag:$0x1], $0x80, v4, vm0, $0xb8;
	[tilespmem:$0x10100] =	vst v63  }
0xa8: {  	v3 =	vadd.s32 v1, v3  }
0xa9: {  	[hbm4b:s6+s2] =	stream.indirect_vreg.scatter [tilespmem:s14], [sflag:$0x1], $0x80, v4, vm0, $0xb8;
	[tilespmem:$0x10100] =	vst v63  }
0xaa: {  	_ = 	snop  }
0xab: {  	[hbm4b:s7+s2] =	stream.indirect_vreg.scatter [tilespmem:s15], [sflag:$0x1], $0x80, v4, vm0, $0xb8;
	[tilespmem:$0x10100] =	vst v63  }
0xac: {  	_ = 	snop  }
0xad: {  	[hbm4b:s3+s2] =	stream.indirect_vreg.scatter [tilespmem:s16], [sflag:$0x1], $0x80, v3, vm0, $0xb8;
	[tilespmem:$0x10100] =	vst v63  }
0xae: {  	_ = 	snop  }
0xaf: {  	[hbm4b:s5+s2] =	stream.indirect_vreg.scatter [tilespmem:s17], [sflag:$0x1], $0x80, v3, vm0, $0xb8;
	[tilespmem:$0x10100] =	vst v63  }
0xb0: {  	_ = 	snop  }
0xb1: {  	[hbm4b:s6+s2] =	stream.indirect_vreg.scatter [tilespmem:s18], [sflag:$0x1], $0x80, v3, vm0, $0xb8;
	[tilespmem:$0x10100] =	vst v63  }
0xb2: {  	_ = 	snop  }
0xb3: {  	[hbm4b:s7+s2] =	stream.indirect_vreg.scatter [tilespmem:s10], [sflag:$0x1], $0x80, v3, vm0, $0xb8;
	[tilespmem:$0x10100] =	vst v63  }
0xb4: {  	v3 =	vld [tilespmem:$0xB0];
	_ =	sdelay $0x4  }
0xb5: {  	v63 =	vshll.u32 v3, $0x3  }
0xb6: {  	v3 =	vand.u32 $0x7, v3;
	v4 =	vand.u32 $0xFFFFFFC0, v63  }
0xb7: {  	v3 =	vor.u32 v3, v4  }
0xb8: {  	v4 =	vperm.xlane v3, v0;
	_ =	sdelay $0x1  }
0xb9: {  	v4 =	vadd.s32 v1, v4;
	_ =	sdelay $0x3  }
0xba: {  	s21 =	simm.s32 $0xC100  }
0xbb: {  	[hbm4b:s3+s2] =	stream.indirect_vreg.scatter [tilespmem:s21], [sflag:$0x1], $0x80, v4, vm0, $0xb8;
	[tilespmem:$0x10100] =	vst v63  }
0xbc: {  	s4 =	simm.s32 $0xC900;
	v3 =	vperm.xlane v3, v2  }
0xbd: {  	[hbm4b:s5+s2] =	stream.indirect_vreg.scatter [tilespmem:s4], [sflag:$0x1], $0x80, v4, vm0, $0xb8;
	[tilespmem:$0x10100] =	vst v63  }
0xbe: {  	s20 =	simm.s32 $0xD100;
	v3 =	vadd.s32 v1, v3  }
0xbf: {  	[hbm4b:s6+s2] =	stream.indirect_vreg.scatter [tilespmem:s20], [sflag:$0x1], $0x80, v4, vm0, $0xb8;
	[tilespmem:$0x10100] =	vst v63  }
0xc0: {  	s21 =	simm.s32 $0xD900  }
0xc1: {  	[hbm4b:s7+s2] =	stream.indirect_vreg.scatter [tilespmem:s21], [sflag:$0x1], $0x80, v4, vm0, $0xb8;
	[tilespmem:$0x10100] =	vst v63  }
0xc2: {  	s4 =	simm.s32 $0xE100  }
0xc3: {  	[hbm4b:s3+s2] =	stream.indirect_vreg.scatter [tilespmem:s4], [sflag:$0x1], $0x80, v3, vm0, $0xb8;
	[tilespmem:$0x10100] =	vst v63  }
0xc4: {  	s20 =	simm.s32 $0xE900  }
0xc5: {  	[hbm4b:s5+s2] =	stream.indirect_vreg.scatter [tilespmem:s20], [sflag:$0x1], $0x80, v3, vm0, $0xb8;
	[tilespmem:$0x10100] =	vst v63  }
0xc6: {  	s21 =	simm.s32 $0xF100  }
0xc7: {  	[hbm4b:s6+s2] =	stream.indirect_vreg.scatter [tilespmem:s21], [sflag:$0x1], $0x80, v3, vm0, $0xb8;
	[tilespmem:$0x10100] =	vst v63  }
0xc8: {  	_ = 	snop  }
0xc9: {  	[hbm4b:s7+s2] =	stream.indirect_vreg.scatter [tilespmem:s1], [sflag:$0x1], $0x80, v3, vm0, $0xb8;
	[tilespmem:$0x10100] =	vst v63  }
0xca: {  	p0 =	sne.s32 s8, $0x1;
	_ =	swait.ge [sflag:s19], $0x10000  }
.Ltmp0:
0xcb: {  	[sflag:s19] =	ssyncset.done $0x0;
	(pc) =	sbr.rel @p0 .LBB2_1-.Ltmp0, $4  }
0xcc: {  	[sflag:s19] =	ssyncadd.s32 $0xFFFF0000  }
0xcd: {  	_ =	swait.ge [sflag:s19], $0x10000  }
0xce: {  	[sflag:s19] =	ssyncset.done $0x0  }
0xcf: {  	s8 =	sadd.s32 $0xFFFFFFFF, s8;
	[sflag:s19] =	ssyncadd.s32 $0xFFFF0000  }
0xd0: {  	_ =	sfence.sel $0x180000  }
0xd1: {  	[bflag:$0x0] =	sbarrier.arrive $0xFFFF  }
0xd2: {  	_ =	strace $0x90000047  }
0xd3: {  	s0 =	stileid.u32;
	[bflag:$0x2] =	sbarrier.arrive $0xFFFF  }
0xd4: {  	p0 =	sne.s32 s0, $0x0;
	s0 =	rddreg [dreg:$0x3]  }
0xd5: {  	s0 =	sadd.s32 @!p0 $0x100000, s0  }
0xd6: {  	[sflag:s0] =	ssyncadd.tile.s32 @!p0 $0x1;
	_ =	shalt  }
.Lfunc_end2:
_tile_overlayer_lowered:
.L_overlay_start_2:
0xd7: {  	(tag) =	ssettag $0x2  }
0xd8: {  	s0 =	rddreg [dreg:$0x0];
	s2 =	stileid.u32  }
0xd9: {  	s1 =	rddreg [dreg:$0x1];
	p0 =	sne.s32 s2, $0x0  }
0xda: {  	s3 =	rddreg [dreg:$0x2];
	[bflag:$0x3] =	sbarrier.arrive $0xFFFF;
	s2 =	simm.s32 @!p0 $0x1C02  }
0xdb: {  	[timem:s3], [sflag:s2] =	dma.local @!p0 [hbm:s0], s1  }
0xdc: {  	s0 =	simm.s32 @!p0 $0x2  }
0xdd: {  	_ =	swait.ge @!p0 [sflag:s0], s1  }
0xde: {  	s1 =	ssub.s32 @!p0 $0x0, s1;
	[sflag:s0] =	ssyncset.done @!p0 $0x0  }
0xdf: {  	[sflag:s0] =	ssyncadd.s32 @!p0 s1  }
0xe0: {  	[bflag:$0x3] =	sbarrier.arrive $0xFFFF  }
0xe1: {  	_ =	shalt  }

</sc_bundles>
